<compile_context>
chip_gen: v7x
topology: tpu7x:2x2x1
jax: 0.10.2.dev20260603
libtpu: 0.0.44.dev20260713+nightly
codegen_flags: <defaults>
</compile_context>

<pallas_src>
import functools

import jax
import jax.numpy as jnp
from jax import lax
from jax.experimental import pallas as pl
from jax.experimental.pallas import tpu as pltpu
from jax.experimental.pallas import tpu_sc as plsc

_CAP = 65536
_DIM = 256
_BATCH = 4096
_NC = 2
_NS = 16
_NW = _NC * _NS
_ROWS = _CAP // _NW
_CHUNK = 248
_NBUF = 2
_AHEAD = 2

_CHUNKS = []
_off = 0
while _off < _ROWS:
    _CHUNKS.append((_off, min(_CHUNK, _ROWS - _off)))
    _off += _CHUNK
_NCHUNK = len(_CHUNKS)


def _fifo_body(x_hbm, mem_hbm, out_hbm, buf, *sems):
    in_sems = sems[:_NBUF]
    out_sems = sems[_NBUF:]
    c = lax.axis_index("c")
    s = lax.axis_index("s")
    wid = s * _NC + c
    base = wid * _ROWS

    def run(src_hbm, src_base):
        def start_in(g):
            off, rows = _CHUNKS[g]
            b = g % _NBUF
            return pltpu.async_copy(
                src_hbm.at[pl.ds(src_base + off, rows)],
                buf.at[pl.ds((s * _NBUF + b) * _CHUNK, rows)],
                in_sems[b],
            )

        def start_out(g):
            off, rows = _CHUNKS[g]
            b = g % _NBUF
            return pltpu.async_copy(
                buf.at[pl.ds((s * _NBUF + b) * _CHUNK, rows)],
                out_hbm.at[pl.ds(base + off, rows)],
                out_sems[b],
            )

        ins = [start_in(g) for g in range(min(_AHEAD, _NCHUNK))]
        outs = [None] * _NCHUNK
        waited = [False] * _NCHUNK
        for g in range(_NCHUNK):
            ins[g].wait()
            outs[g] = start_out(g)
            nxt = g + _AHEAD
            if nxt < _NCHUNK:
                prev = nxt - _NBUF
                if prev >= 0:
                    outs[prev].wait()
                    waited[prev] = True
                ins.append(start_in(nxt))
        for g in range(_NCHUNK):
            if not waited[g]:
                outs[g].wait()

    @pl.when(base < _BATCH)
    def _copy_x():
        run(x_hbm, base)

    @pl.when(base >= _BATCH)
    def _copy_mem():
        run(mem_hbm, base - _BATCH)


def kernel(x, classes, memory):
    del classes
    run = functools.partial(
        pl.kernel,
        mesh=plsc.VectorSubcoreMesh(core_axis_name="c", subcore_axis_name="s"),
        out_type=jax.ShapeDtypeStruct((_CAP, _DIM), jnp.float32),
        scratch_types=(
            [pltpu.VMEM_SHARED((_NS * _NBUF * _CHUNK, _DIM), jnp.float32)]
            + [pltpu.SemaphoreType.DMA] * (2 * _NBUF)
        ),
    )(_fifo_body)
    return run(x, memory)

# --- scband reference (transcript-rebuilt; emitter-appended) ---
"""Pipeline reference for scband-memory-bank-ot2-50319836840108 (READ-ONLY COPY).

The authoritative reference and input builder live on the scoring server;
editing this copy changes nothing except your own understanding.
"""

import jax, jax.numpy as jnp
import numpy as np

CAP = 65536
INPUT_DIM = 256
BATCH = 4096
NUM_CLASSES = 1000


def setup_inputs(seed: int = 0) -> dict:
    key = jax.random.key(seed)
    k1, k2, k3 = jax.random.split(key, 3)
    x = jax.random.normal(k1, (BATCH, INPUT_DIM), dtype=jnp.float32)
    classes = jax.random.randint(k2, (BATCH,), 0, NUM_CLASSES, dtype=jnp.int32)
    # persistent state of the module (initialized with randn in __init__)
    memory = jax.random.normal(k3, (CAP, INPUT_DIM), dtype=jnp.float32)
    return {"x": x, "classes": classes, "memory": memory}


def reference(x, classes, memory):
    # update(): FIFO push of new instances, truncate to capacity
    new_ins = jnp.concatenate([x, memory], axis=0)
    new_memory = new_ins[:CAP]
    # mem_cls is updated the same way but is internal state, not returned
    # forward returns the (updated) memory bank
    return new_memory

if __name__ == "__main__":
    import jax
    _d = setup_inputs()
    print(jax.jit(kernel)(*tuple(_d.values())))

</pallas_src>

<mosaic_0001>
#map = affine_map<(d0, d1) -> (0, 0)>
module attributes {stable_mosaic.version = 14 : i64} {
  func.func @_fifo_body(%arg0: i32, %arg1: i32, %arg2: memref<4096x256xf32, #tpu.memory_space<hbm>>, %arg3: memref<65536x256xf32, #tpu.memory_space<hbm>>, %arg4: memref<65536x256xf32, #tpu.memory_space<hbm>>, %arg5: memref<7936x256xf32, #tpu.memory_space<vmem_shared>>, %arg6: memref<!tpu.dma_semaphore, #tpu.memory_space<semaphore_mem>>, %arg7: memref<!tpu.dma_semaphore, #tpu.memory_space<semaphore_mem>>, %arg8: memref<!tpu.dma_semaphore, #tpu.memory_space<semaphore_mem>>, %arg9: memref<!tpu.dma_semaphore, #tpu.memory_space<semaphore_mem>>) attributes {dimension_semantics = [#tpu.dimension_semantics<core_parallel>, #tpu.dimension_semantics<subcore_parallel>], iteration_bounds = array<i64: 2, 16>, scalar_prefetch = 0 : i64, scratch_operands = 5 : i64, tpu.core_type = #tpu.core_type<sc_vector_subcore>, window_params = [{transform_indices = #map}, {transform_indices = #map}, {transform_indices = #map}]} {
    %mul3A = arith.constant 2 : i32
    %mul3A_0 = arith.muli %arg1, %mul3A : i32
    %add3A = arith.addi %mul3A_0, %arg0 : i32
    %mul3A_1 = arith.constant 2048 : i32
    %mul3A_2 = arith.muli %add3A, %mul3A_1 : i32
    %lt3A = arith.constant 4096 : i32
    %lt3A_3 = arith.cmpi slt, %mul3A_2, %lt3A : i32
    %convert_element_type3A = arith.extui %lt3A_3 : i1 to i32
    %cond3A = arith.constant 0 : i32
    %cond3A_4 = arith.cmpi ne, %convert_element_type3A, %cond3A : i32
    scf.if %cond3A_4 {
      %add3A_9 = arith.constant 0 : i32
      %add3A_10 = arith.addi %mul3A_2, %add3A_9 : i32
      %mul3A_11 = arith.constant 2 : i32
      %mul3A_12 = arith.muli %arg1, %mul3A_11 : i32
      %add3A_13 = arith.constant 0 : i32
      %add3A_14 = arith.addi %mul3A_12, %add3A_13 : i32
      %mul3A_15 = arith.constant 248 : i32
      %mul3A_16 = arith.muli %add3A_14, %mul3A_15 : i32
      %dma_start3A = arith.constant 0 : i32
      %dma_start3A_17 = tpu.memref_slice %arg5[%mul3A_16, %dma_start3A] : memref<7936x256xf32, #tpu.memory_space<vmem_shared>> -> memref<248x256xf32, #tpu.memory_space<vmem_shared>>
      %dma_start3A_18 = arith.constant 0 : i32
      %dma_start3A_19 = tpu.memref_slice %arg2[%add3A_10, %dma_start3A_18] : memref<4096x256xf32, #tpu.memory_space<hbm>> -> memref<248x256xf32, #tpu.memory_space<hbm>>
      tpu.enqueue_dma source(%dma_start3A_19 : memref<248x256xf32, #tpu.memory_space<hbm>>) target(%dma_start3A_17 : memref<248x256xf32, #tpu.memory_space<vmem_shared>>) target_semaphore(%arg6 : memref<!tpu.dma_semaphore, #tpu.memory_space<semaphore_mem>>)
      %add3A_20 = arith.constant 248 : i32
      %add3A_21 = arith.addi %mul3A_2, %add3A_20 : i32
      %mul3A_22 = arith.constant 2 : i32
      %mul3A_23 = arith.muli %arg1, %mul3A_22 : i32
      %add3A_24 = arith.constant 1 : i32
      %add3A_25 = arith.addi %mul3A_23, %add3A_24 : i32
      %mul3A_26 = arith.constant 248 : i32
      %mul3A_27 = arith.muli %add3A_25, %mul3A_26 : i32
      %dma_start3A_28 = arith.constant 0 : i32
      %dma_start3A_29 = tpu.memref_slice %arg5[%mul3A_27, %dma_start3A_28] : memref<7936x256xf32, #tpu.memory_space<vmem_shared>> -> memref<248x256xf32, #tpu.memory_space<vmem_shared>>
      %dma_start3A_30 = arith.constant 0 : i32
      %dma_start3A_31 = tpu.memref_slice %arg2[%add3A_21, %dma_start3A_30] : memref<4096x256xf32, #tpu.memory_space<hbm>> -> memref<248x256xf32, #tpu.memory_space<hbm>>
      tpu.enqueue_dma source(%dma_start3A_31 : memref<248x256xf32, #tpu.memory_space<hbm>>) target(%dma_start3A_29 : memref<248x256xf32, #tpu.memory_space<vmem_shared>>) target_semaphore(%arg7 : memref<!tpu.dma_semaphore, #tpu.memory_space<semaphore_mem>>)
      %dma_wait3A = arith.constant 0 : i32
      %dma_wait3A_32 = tpu.memref_slice %arg5[%mul3A_16, %dma_wait3A] : memref<7936x256xf32, #tpu.memory_space<vmem_shared>> -> memref<248x256xf32, #tpu.memory_space<vmem_shared>>
      %dma_wait3A_33 = arith.constant 0 : i32
      %dma_wait3A_34 = tpu.memref_slice %arg2[%add3A_10, %dma_wait3A_33] : memref<4096x256xf32, #tpu.memory_space<hbm>> -> memref<248x256xf32, #tpu.memory_space<hbm>>
      tpu.wait_dma2 semaphore(%arg6 : memref<!tpu.dma_semaphore, #tpu.memory_space<semaphore_mem>>) src(%dma_wait3A_34 : memref<248x256xf32, #tpu.memory_space<hbm>>) dst(%dma_wait3A_32 : memref<248x256xf32, #tpu.memory_space<vmem_shared>>)
      %mul3A_35 = arith.constant 2 : i32
      %mul3A_36 = arith.muli %arg1, %mul3A_35 : i32
      %add3A_37 = arith.constant 0 : i32
      %add3A_38 = arith.addi %mul3A_36, %add3A_37 : i32
      %mul3A_39 = arith.constant 248 : i32
      %mul3A_40 = arith.muli %add3A_38, %mul3A_39 : i32
      %add3A_41 = arith.constant 0 : i32
      %add3A_42 = arith.addi %mul3A_2, %add3A_41 : i32
      %dma_start3A_43 = arith.constant 0 : i32
      %dma_start3A_44 = tpu.memref_slice %arg4[%add3A_42, %dma_start3A_43] : memref<65536x256xf32, #tpu.memory_space<hbm>> -> memref<248x256xf32, #tpu.memory_space<hbm>>
      %dma_start3A_45 = arith.constant 0 : i32
      %dma_start3A_46 = tpu.memref_slice %arg5[%mul3A_40, %dma_start3A_45] : memref<7936x256xf32, #tpu.memory_space<vmem_shared>> -> memref<248x256xf32, #tpu.memory_space<vmem_shared>>
      tpu.enqueue_dma source(%dma_start3A_46 : memref<248x256xf32, #tpu.memory_space<vmem_shared>>) target(%dma_start3A_44 : memref<248x256xf32, #tpu.memory_space<hbm>>) target_semaphore(%arg8 : memref<!tpu.dma_semaphore, #tpu.memory_space<semaphore_mem>>)
      %dma_wait3A_47 = arith.constant 0 : i32
      %dma_wait3A_48 = tpu.memref_slice %arg4[%add3A_42, %dma_wait3A_47] : memref<65536x256xf32, #tpu.memory_space<hbm>> -> memref<248x256xf32, #tpu.memory_space<hbm>>
      %dma_wait3A_49 = arith.constant 0 : i32
      %dma_wait3A_50 = tpu.memref_slice %arg5[%mul3A_40, %dma_wait3A_49] : memref<7936x256xf32, #tpu.memory_space<vmem_shared>> -> memref<248x256xf32, #tpu.memory_space<vmem_shared>>
      tpu.wait_dma2 semaphore(%arg8 : memref<!tpu.dma_semaphore, #tpu.memory_space<semaphore_mem>>) src(%dma_wait3A_50 : memref<248x256xf32, #tpu.memory_space<vmem_shared>>) dst(%dma_wait3A_48 : memref<248x256xf32, #tpu.memory_space<hbm>>)
      %add3A_51 = arith.constant 496 : i32
      %add3A_52 = arith.addi %mul3A_2, %add3A_51 : i32
      %mul3A_53 = arith.constant 2 : i32
      %mul3A_54 = arith.muli %arg1, %mul3A_53 : i32
      %add3A_55 = arith.constant 0 : i32
      %add3A_56 = arith.addi %mul3A_54, %add3A_55 : i32
      %mul3A_57 = arith.constant 248 : i32
      %mul3A_58 = arith.muli %add3A_56, %mul3A_57 : i32
      %dma_start3A_59 = arith.constant 0 : i32
      %dma_start3A_60 = tpu.memref_slice %arg5[%mul3A_58, %dma_start3A_59] : memref<7936x256xf32, #tpu.memory_space<vmem_shared>> -> memref<248x256xf32, #tpu.memory_space<vmem_shared>>
      %dma_start3A_61 = arith.constant 0 : i32
      %dma_start3A_62 = tpu.memref_slice %arg2[%add3A_52, %dma_start3A_61] : memref<4096x256xf32, #tpu.memory_space<hbm>> -> memref<248x256xf32, #tpu.memory_space<hbm>>
      tpu.enqueue_dma source(%dma_start3A_62 : memref<248x256xf32, #tpu.memory_space<hbm>>) target(%dma_start3A_60 : memref<248x256xf32, #tpu.memory_space<vmem_shared>>) target_semaphore(%arg6 : memref<!tpu.dma_semaphore, #tpu.memory_space<semaphore_mem>>)
      %dma_wait3A_63 = arith.constant 0 : i32
      %dma_wait3A_64 = tpu.memref_slice %arg5[%mul3A_27, %dma_wait3A_63] : memref<7936x256xf32, #tpu.memory_space<vmem_shared>> -> memref<248x256xf32, #tpu.memory_space<vmem_shared>>
      %dma_wait3A_65 = arith.constant 0 : i32
      %dma_wait3A_66 = tpu.memref_slice %arg2[%add3A_21, %dma_wait3A_65] : memref<4096x256xf32, #tpu.memory_space<hbm>> -> memref<248x256xf32, #tpu.memory_space<hbm>>
      tpu.wait_dma2 semaphore(%arg7 : memref<!tpu.dma_semaphore, #tpu.memory_space<semaphore_mem>>) src(%dma_wait3A_66 : memref<248x256xf32, #tpu.memory_space<hbm>>) dst(%dma_wait3A_64 : memref<248x256xf32, #tpu.memory_space<vmem_shared>>)
      %mul3A_67 = arith.constant 2 : i32
      %mul3A_68 = arith.muli %arg1, %mul3A_67 : i32
      %add3A_69 = arith.constant 1 : i32
      %add3A_70 = arith.addi %mul3A_68, %add3A_69 : i32
      %mul3A_71 = arith.constant 248 : i32
      %mul3A_72 = arith.muli %add3A_70, %mul3A_71 : i32
      %add3A_73 = arith.constant 248 : i32
      %add3A_74 = arith.addi %mul3A_2, %add3A_73 : i32
      %dma_start3A_75 = arith.constant 0 : i32
      %dma_start3A_76 = tpu.memref_slice %arg4[%add3A_74, %dma_start3A_75] : memref<65536x256xf32, #tpu.memory_space<hbm>> -> memref<248x256xf32, #tpu.memory_space<hbm>>
      %dma_start3A_77 = arith.constant 0 : i32
      %dma_start3A_78 = tpu.memref_slice %arg5[%mul3A_72, %dma_start3A_77] : memref<7936x256xf32, #tpu.memory_space<vmem_shared>> -> memref<248x256xf32, #tpu.memory_space<vmem_shared>>
      tpu.enqueue_dma source(%dma_start3A_78 : memref<248x256xf32, #tpu.memory_space<vmem_shared>>) target(%dma_start3A_76 : memref<248x256xf32, #tpu.memory_space<hbm>>) target_semaphore(%arg9 : memref<!tpu.dma_semaphore, #tpu.memory_space<semaphore_mem>>)
      %dma_wait3A_79 = arith.constant 0 : i32
      %dma_wait3A_80 = tpu.memref_slice %arg4[%add3A_74, %dma_wait3A_79] : memref<65536x256xf32, #tpu.memory_space<hbm>> -> memref<248x256xf32, #tpu.memory_space<hbm>>
      %dma_wait3A_81 = arith.constant 0 : i32
      %dma_wait3A_82 = tpu.memref_slice %arg5[%mul3A_72, %dma_wait3A_81] : memref<7936x256xf32, #tpu.memory_space<vmem_shared>> -> memref<248x256xf32, #tpu.memory_space<vmem_shared>>
      tpu.wait_dma2 semaphore(%arg9 : memref<!tpu.dma_semaphore, #tpu.memory_space<semaphore_mem>>) src(%dma_wait3A_82 : memref<248x256xf32, #tpu.memory_space<vmem_shared>>) dst(%dma_wait3A_80 : memref<248x256xf32, #tpu.memory_space<hbm>>)
      %add3A_83 = arith.constant 744 : i32
      %add3A_84 = arith.addi %mul3A_2, %add3A_83 : i32
      %mul3A_85 = arith.constant 2 : i32
      %mul3A_86 = arith.muli %arg1, %mul3A_85 : i32
      %add3A_87 = arith.constant 1 : i32
      %add3A_88 = arith.addi %mul3A_86, %add3A_87 : i32
      %mul3A_89 = arith.constant 248 : i32
      %mul3A_90 = arith.muli %add3A_88, %mul3A_89 : i32
      %dma_start3A_91 = arith.constant 0 : i32
      %dma_start3A_92 = tpu.memref_slice %arg5[%mul3A_90, %dma_start3A_91] : memref<7936x256xf32, #tpu.memory_space<vmem_shared>> -> memref<248x256xf32, #tpu.memory_space<vmem_shared>>
      %dma_start3A_93 = arith.constant 0 : i32
      %dma_start3A_94 = tpu.memref_slice %arg2[%add3A_84, %dma_start3A_93] : memref<4096x256xf32, #tpu.memory_space<hbm>> -> memref<248x256xf32, #tpu.memory_space<hbm>>
      tpu.enqueue_dma source(%dma_start3A_94 : memref<248x256xf32, #tpu.memory_space<hbm>>) target(%dma_start3A_92 : memref<248x256xf32, #tpu.memory_space<vmem_shared>>) target_semaphore(%arg7 : memref<!tpu.dma_semaphore, #tpu.memory_space<semaphore_mem>>)
      %dma_wait3A_95 = arith.constant 0 : i32
      %dma_wait3A_96 = tpu.memref_slice %arg5[%mul3A_58, %dma_wait3A_95] : memref<7936x256xf32, #tpu.memory_space<vmem_shared>> -> memref<248x256xf32, #tpu.memory_space<vmem_shared>>
      %dma_wait3A_97 = arith.constant 0 : i32
      %dma_wait3A_98 = tpu.memref_slice %arg2[%add3A_52, %dma_wait3A_97] : memref<4096x256xf32, #tpu.memory_space<hbm>> -> memref<248x256xf32, #tpu.memory_space<hbm>>
      tpu.wait_dma2 semaphore(%arg6 : memref<!tpu.dma_semaphore, #tpu.memory_space<semaphore_mem>>) src(%dma_wait3A_98 : memref<248x256xf32, #tpu.memory_space<hbm>>) dst(%dma_wait3A_96 : memref<248x256xf32, #tpu.memory_space<vmem_shared>>)
      %mul3A_99 = arith.constant 2 : i32
      %mul3A_100 = arith.muli %arg1, %mul3A_99 : i32
      %add3A_101 = arith.constant 0 : i32
      %add3A_102 = arith.addi %mul3A_100, %add3A_101 : i32
      %mul3A_103 = arith.constant 248 : i32
      %mul3A_104 = arith.muli %add3A_102, %mul3A_103 : i32
      %add3A_105 = arith.constant 496 : i32
      %add3A_106 = arith.addi %mul3A_2, %add3A_105 : i32
      %dma_start3A_107 = arith.constant 0 : i32
      %dma_start3A_108 = tpu.memref_slice %arg4[%add3A_106, %dma_start3A_107] : memref<65536x256xf32, #tpu.memory_space<hbm>> -> memref<248x256xf32, #tpu.memory_space<hbm>>
      %dma_start3A_109 = arith.constant 0 : i32
      %dma_start3A_110 = tpu.memref_slice %arg5[%mul3A_104, %dma_start3A_109] : memref<7936x256xf32, #tpu.memory_space<vmem_shared>> -> memref<248x256xf32, #tpu.memory_space<vmem_shared>>
      tpu.enqueue_dma source(%dma_start3A_110 : memref<248x256xf32, #tpu.memory_space<vmem_shared>>) target(%dma_start3A_108 : memref<248x256xf32, #tpu.memory_space<hbm>>) target_semaphore(%arg8 : memref<!tpu.dma_semaphore, #tpu.memory_space<semaphore_mem>>)
      %dma_wait3A_111 = arith.constant 0 : i32
      %dma_wait3A_112 = tpu.memref_slice %arg4[%add3A_106, %dma_wait3A_111] : memref<65536x256xf32, #tpu.memory_space<hbm>> -> memref<248x256xf32, #tpu.memory_space<hbm>>
      %dma_wait3A_113 = arith.constant 0 : i32
      %dma_wait3A_114 = tpu.memref_slice %arg5[%mul3A_104, %dma_wait3A_113] : memref<7936x256xf32, #tpu.memory_space<vmem_shared>> -> memref<248x256xf32, #tpu.memory_space<vmem_shared>>
      tpu.wait_dma2 semaphore(%arg8 : memref<!tpu.dma_semaphore, #tpu.memory_space<semaphore_mem>>) src(%dma_wait3A_114 : memref<248x256xf32, #tpu.memory_space<vmem_shared>>) dst(%dma_wait3A_112 : memref<248x256xf32, #tpu.memory_space<hbm>>)
      %add3A_115 = arith.constant 992 : i32
      %add3A_116 = arith.addi %mul3A_2, %add3A_115 : i32
      %mul3A_117 = arith.constant 2 : i32
      %mul3A_118 = arith.muli %arg1, %mul3A_117 : i32
      %add3A_119 = arith.constant 0 : i32
      %add3A_120 = arith.addi %mul3A_118, %add3A_119 : i32
      %mul3A_121 = arith.constant 248 : i32
      %mul3A_122 = arith.muli %add3A_120, %mul3A_121 : i32
      %dma_start3A_123 = arith.constant 0 : i32
      %dma_start3A_124 = tpu.memref_slice %arg5[%mul3A_122, %dma_start3A_123] : memref<7936x256xf32, #tpu.memory_space<vmem_shared>> -> memref<248x256xf32, #tpu.memory_space<vmem_shared>>
      %dma_start3A_125 = arith.constant 0 : i32
      %dma_start3A_126 = tpu.memref_slice %arg2[%add3A_116, %dma_start3A_125] : memref<4096x256xf32, #tpu.memory_space<hbm>> -> memref<248x256xf32, #tpu.memory_space<hbm>>
      tpu.enqueue_dma source(%dma_start3A_126 : memref<248x256xf32, #tpu.memory_space<hbm>>) target(%dma_start3A_124 : memref<248x256xf32, #tpu.memory_space<vmem_shared>>) target_semaphore(%arg6 : memref<!tpu.dma_semaphore, #tpu.memory_space<semaphore_mem>>)
      %dma_wait3A_127 = arith.constant 0 : i32
      %dma_wait3A_128 = tpu.memref_slice %arg5[%mul3A_90, %dma_wait3A_127] : memref<7936x256xf32, #tpu.memory_space<vmem_shared>> -> memref<248x256xf32, #tpu.memory_space<vmem_shared>>
      %dma_wait3A_129 = arith.constant 0 : i32
      %dma_wait3A_130 = tpu.memref_slice %arg2[%add3A_84, %dma_wait3A_129] : memref<4096x256xf32, #tpu.memory_space<hbm>> -> memref<248x256xf32, #tpu.memory_space<hbm>>
      tpu.wait_dma2 semaphore(%arg7 : memref<!tpu.dma_semaphore, #tpu.memory_space<semaphore_mem>>) src(%dma_wait3A_130 : memref<248x256xf32, #tpu.memory_space<hbm>>) dst(%dma_wait3A_128 : memref<248x256xf32, #tpu.memory_space<vmem_shared>>)
      %mul3A_131 = arith.constant 2 : i32
      %mul3A_132 = arith.muli %arg1, %mul3A_131 : i32
      %add3A_133 = arith.constant 1 : i32
      %add3A_134 = arith.addi %mul3A_132, %add3A_133 : i32
      %mul3A_135 = arith.constant 248 : i32
      %mul3A_136 = arith.muli %add3A_134, %mul3A_135 : i32
      %add3A_137 = arith.constant 744 : i32
      %add3A_138 = arith.addi %mul3A_2, %add3A_137 : i32
      %dma_start3A_139 = arith.constant 0 : i32
      %dma_start3A_140 = tpu.memref_slice %arg4[%add3A_138, %dma_start3A_139] : memref<65536x256xf32, #tpu.memory_space<hbm>> -> memref<248x256xf32, #tpu.memory_space<hbm>>
      %dma_start3A_141 = arith.constant 0 : i32
      %dma_start3A_142 = tpu.memref_slice %arg5[%mul3A_136, %dma_start3A_141] : memref<7936x256xf32, #tpu.memory_space<vmem_shared>> -> memref<248x256xf32, #tpu.memory_space<vmem_shared>>
      tpu.enqueue_dma source(%dma_start3A_142 : memref<248x256xf32, #tpu.memory_space<vmem_shared>>) target(%dma_start3A_140 : memref<248x256xf32, #tpu.memory_space<hbm>>) target_semaphore(%arg9 : memref<!tpu.dma_semaphore, #tpu.memory_space<semaphore_mem>>)
      %dma_wait3A_143 = arith.constant 0 : i32
      %dma_wait3A_144 = tpu.memref_slice %arg4[%add3A_138, %dma_wait3A_143] : memref<65536x256xf32, #tpu.memory_space<hbm>> -> memref<248x256xf32, #tpu.memory_space<hbm>>
      %dma_wait3A_145 = arith.constant 0 : i32
      %dma_wait3A_146 = tpu.memref_slice %arg5[%mul3A_136, %dma_wait3A_145] : memref<7936x256xf32, #tpu.memory_space<vmem_shared>> -> memref<248x256xf32, #tpu.memory_space<vmem_shared>>
      tpu.wait_dma2 semaphore(%arg9 : memref<!tpu.dma_semaphore, #tpu.memory_space<semaphore_mem>>) src(%dma_wait3A_146 : memref<248x256xf32, #tpu.memory_space<vmem_shared>>) dst(%dma_wait3A_144 : memref<248x256xf32, #tpu.memory_space<hbm>>)
      %add3A_147 = arith.constant 1240 : i32
      %add3A_148 = arith.addi %mul3A_2, %add3A_147 : i32
      %mul3A_149 = arith.constant 2 : i32
      %mul3A_150 = arith.muli %arg1, %mul3A_149 : i32
      %add3A_151 = arith.constant 1 : i32
      %add3A_152 = arith.addi %mul3A_150, %add3A_151 : i32
      %mul3A_153 = arith.constant 248 : i32
      %mul3A_154 = arith.muli %add3A_152, %mul3A_153 : i32
      %dma_start3A_155 = arith.constant 0 : i32
      %dma_start3A_156 = tpu.memref_slice %arg5[%mul3A_154, %dma_start3A_155] : memref<7936x256xf32, #tpu.memory_space<vmem_shared>> -> memref<248x256xf32, #tpu.memory_space<vmem_shared>>
      %dma_start3A_157 = arith.constant 0 : i32
      %dma_start3A_158 = tpu.memref_slice %arg2[%add3A_148, %dma_start3A_157] : memref<4096x256xf32, #tpu.memory_space<hbm>> -> memref<248x256xf32, #tpu.memory_space<hbm>>
      tpu.enqueue_dma source(%dma_start3A_158 : memref<248x256xf32, #tpu.memory_space<hbm>>) target(%dma_start3A_156 : memref<248x256xf32, #tpu.memory_space<vmem_shared>>) target_semaphore(%arg7 : memref<!tpu.dma_semaphore, #tpu.memory_space<semaphore_mem>>)
      %dma_wait3A_159 = arith.constant 0 : i32
      %dma_wait3A_160 = tpu.memref_slice %arg5[%mul3A_122, %dma_wait3A_159] : memref<7936x256xf32, #tpu.memory_space<vmem_shared>> -> memref<248x256xf32, #tpu.memory_space<vmem_shared>>
      %dma_wait3A_161 = arith.constant 0 : i32
      %dma_wait3A_162 = tpu.memref_slice %arg2[%add3A_116, %dma_wait3A_161] : memref<4096x256xf32, #tpu.memory_space<hbm>> -> memref<248x256xf32, #tpu.memory_space<hbm>>
      tpu.wait_dma2 semaphore(%arg6 : memref<!tpu.dma_semaphore, #tpu.memory_space<semaphore_mem>>) src(%dma_wait3A_162 : memref<248x256xf32, #tpu.memory_space<hbm>>) dst(%dma_wait3A_160 : memref<248x256xf32, #tpu.memory_space<vmem_shared>>)
      %mul3A_163 = arith.constant 2 : i32
      %mul3A_164 = arith.muli %arg1, %mul3A_163 : i32
      %add3A_165 = arith.constant 0 : i32
      %add3A_166 = arith.addi %mul3A_164, %add3A_165 : i32
      %mul3A_167 = arith.constant 248 : i32
      %mul3A_168 = arith.muli %add3A_166, %mul3A_167 : i32
      %add3A_169 = arith.constant 992 : i32
      %add3A_170 = arith.addi %mul3A_2, %add3A_169 : i32
      %dma_start3A_171 = arith.constant 0 : i32
      %dma_start3A_172 = tpu.memref_slice %arg4[%add3A_170, %dma_start3A_171] : memref<65536x256xf32, #tpu.memory_space<hbm>> -> memref<248x256xf32, #tpu.memory_space<hbm>>
      %dma_start3A_173 = arith.constant 0 : i32
      %dma_start3A_174 = tpu.memref_slice %arg5[%mul3A_168, %dma_start3A_173] : memref<7936x256xf32, #tpu.memory_space<vmem_shared>> -> memref<248x256xf32, #tpu.memory_space<vmem_shared>>
      tpu.enqueue_dma source(%dma_start3A_174 : memref<248x256xf32, #tpu.memory_space<vmem_shared>>) target(%dma_start3A_172 : memref<248x256xf32, #tpu.memory_space<hbm>>) target_semaphore(%arg8 : memref<!tpu.dma_semaphore, #tpu.memory_space<semaphore_mem>>)
      %dma_wait3A_175 = arith.constant 0 : i32
      %dma_wait3A_176 = tpu.memref_slice %arg4[%add3A_170, %dma_wait3A_175] : memref<65536x256xf32, #tpu.memory_space<hbm>> -> memref<248x256xf32, #tpu.memory_space<hbm>>
      %dma_wait3A_177 = arith.constant 0 : i32
      %dma_wait3A_178 = tpu.memref_slice %arg5[%mul3A_168, %dma_wait3A_177] : memref<7936x256xf32, #tpu.memory_space<vmem_shared>> -> memref<248x256xf32, #tpu.memory_space<vmem_shared>>
      tpu.wait_dma2 semaphore(%arg8 : memref<!tpu.dma_semaphore, #tpu.memory_space<semaphore_mem>>) src(%dma_wait3A_178 : memref<248x256xf32, #tpu.memory_space<vmem_shared>>) dst(%dma_wait3A_176 : memref<248x256xf32, #tpu.memory_space<hbm>>)
      %add3A_179 = arith.constant 1488 : i32
      %add3A_180 = arith.addi %mul3A_2, %add3A_179 : i32
      %mul3A_181 = arith.constant 2 : i32
      %mul3A_182 = arith.muli %arg1, %mul3A_181 : i32
      %add3A_183 = arith.constant 0 : i32
      %add3A_184 = arith.addi %mul3A_182, %add3A_183 : i32
      %mul3A_185 = arith.constant 248 : i32
      %mul3A_186 = arith.muli %add3A_184, %mul3A_185 : i32
      %dma_start3A_187 = arith.constant 0 : i32
      %dma_start3A_188 = tpu.memref_slice %arg5[%mul3A_186, %dma_start3A_187] : memref<7936x256xf32, #tpu.memory_space<vmem_shared>> -> memref<248x256xf32, #tpu.memory_space<vmem_shared>>
      %dma_start3A_189 = arith.constant 0 : i32
      %dma_start3A_190 = tpu.memref_slice %arg2[%add3A_180, %dma_start3A_189] : memref<4096x256xf32, #tpu.memory_space<hbm>> -> memref<248x256xf32, #tpu.memory_space<hbm>>
      tpu.enqueue_dma source(%dma_start3A_190 : memref<248x256xf32, #tpu.memory_space<hbm>>) target(%dma_start3A_188 : memref<248x256xf32, #tpu.memory_space<vmem_shared>>) target_semaphore(%arg6 : memref<!tpu.dma_semaphore, #tpu.memory_space<semaphore_mem>>)
      %dma_wait3A_191 = arith.constant 0 : i32
      %dma_wait3A_192 = tpu.memref_slice %arg5[%mul3A_154, %dma_wait3A_191] : memref<7936x256xf32, #tpu.memory_space<vmem_shared>> -> memref<248x256xf32, #tpu.memory_space<vmem_shared>>
      %dma_wait3A_193 = arith.constant 0 : i32
      %dma_wait3A_194 = tpu.memref_slice %arg2[%add3A_148, %dma_wait3A_193] : memref<4096x256xf32, #tpu.memory_space<hbm>> -> memref<248x256xf32, #tpu.memory_space<hbm>>
      tpu.wait_dma2 semaphore(%arg7 : memref<!tpu.dma_semaphore, #tpu.memory_space<semaphore_mem>>) src(%dma_wait3A_194 : memref<248x256xf32, #tpu.memory_space<hbm>>) dst(%dma_wait3A_192 : memref<248x256xf32, #tpu.memory_space<vmem_shared>>)
      %mul3A_195 = arith.constant 2 : i32
      %mul3A_196 = arith.muli %arg1, %mul3A_195 : i32
      %add3A_197 = arith.constant 1 : i32
      %add3A_198 = arith.addi %mul3A_196, %add3A_197 : i32
      %mul3A_199 = arith.constant 248 : i32
      %mul3A_200 = arith.muli %add3A_198, %mul3A_199 : i32
      %add3A_201 = arith.constant 1240 : i32
      %add3A_202 = arith.addi %mul3A_2, %add3A_201 : i32
      %dma_start3A_203 = arith.constant 0 : i32
      %dma_start3A_204 = tpu.memref_slice %arg4[%add3A_202, %dma_start3A_203] : memref<65536x256xf32, #tpu.memory_space<hbm>> -> memref<248x256xf32, #tpu.memory_space<hbm>>
      %dma_start3A_205 = arith.constant 0 : i32
      %dma_start3A_206 = tpu.memref_slice %arg5[%mul3A_200, %dma_start3A_205] : memref<7936x256xf32, #tpu.memory_space<vmem_shared>> -> memref<248x256xf32, #tpu.memory_space<vmem_shared>>
      tpu.enqueue_dma source(%dma_start3A_206 : memref<248x256xf32, #tpu.memory_space<vmem_shared>>) target(%dma_start3A_204 : memref<248x256xf32, #tpu.memory_space<hbm>>) target_semaphore(%arg9 : memref<!tpu.dma_semaphore, #tpu.memory_space<semaphore_mem>>)
      %dma_wait3A_207 = arith.constant 0 : i32
      %dma_wait3A_208 = tpu.memref_slice %arg4[%add3A_202, %dma_wait3A_207] : memref<65536x256xf32, #tpu.memory_space<hbm>> -> memref<248x256xf32, #tpu.memory_space<hbm>>
      %dma_wait3A_209 = arith.constant 0 : i32
      %dma_wait3A_210 = tpu.memref_slice %arg5[%mul3A_200, %dma_wait3A_209] : memref<7936x256xf32, #tpu.memory_space<vmem_shared>> -> memref<248x256xf32, #tpu.memory_space<vmem_shared>>
      tpu.wait_dma2 semaphore(%arg9 : memref<!tpu.dma_semaphore, #tpu.memory_space<semaphore_mem>>) src(%dma_wait3A_210 : memref<248x256xf32, #tpu.memory_space<vmem_shared>>) dst(%dma_wait3A_208 : memref<248x256xf32, #tpu.memory_space<hbm>>)
      %add3A_211 = arith.constant 1736 : i32
      %add3A_212 = arith.addi %mul3A_2, %add3A_211 : i32
      %mul3A_213 = arith.constant 2 : i32
      %mul3A_214 = arith.muli %arg1, %mul3A_213 : i32
      %add3A_215 = arith.constant 1 : i32
      %add3A_216 = arith.addi %mul3A_214, %add3A_215 : i32
      %mul3A_217 = arith.constant 248 : i32
      %mul3A_218 = arith.muli %add3A_216, %mul3A_217 : i32
      %dma_start3A_219 = arith.constant 0 : i32
      %dma_start3A_220 = tpu.memref_slice %arg5[%mul3A_218, %dma_start3A_219] : memref<7936x256xf32, #tpu.memory_space<vmem_shared>> -> memref<248x256xf32, #tpu.memory_space<vmem_shared>>
      %dma_start3A_221 = arith.constant 0 : i32
      %dma_start3A_222 = tpu.memref_slice %arg2[%add3A_212, %dma_start3A_221] : memref<4096x256xf32, #tpu.memory_space<hbm>> -> memref<248x256xf32, #tpu.memory_space<hbm>>
      tpu.enqueue_dma source(%dma_start3A_222 : memref<248x256xf32, #tpu.memory_space<hbm>>) target(%dma_start3A_220 : memref<248x256xf32, #tpu.memory_space<vmem_shared>>) target_semaphore(%arg7 : memref<!tpu.dma_semaphore, #tpu.memory_space<semaphore_mem>>)
      %dma_wait3A_223 = arith.constant 0 : i32
      %dma_wait3A_224 = tpu.memref_slice %arg5[%mul3A_186, %dma_wait3A_223] : memref<7936x256xf32, #tpu.memory_space<vmem_shared>> -> memref<248x256xf32, #tpu.memory_space<vmem_shared>>
      %dma_wait3A_225 = arith.constant 0 : i32
      %dma_wait3A_226 = tpu.memref_slice %arg2[%add3A_180, %dma_wait3A_225] : memref<4096x256xf32, #tpu.memory_space<hbm>> -> memref<248x256xf32, #tpu.memory_space<hbm>>
      tpu.wait_dma2 semaphore(%arg6 : memref<!tpu.dma_semaphore, #tpu.memory_space<semaphore_mem>>) src(%dma_wait3A_226 : memref<248x256xf32, #tpu.memory_space<hbm>>) dst(%dma_wait3A_224 : memref<248x256xf32, #tpu.memory_space<vmem_shared>>)
      %mul3A_227 = arith.constant 2 : i32
      %mul3A_228 = arith.muli %arg1, %mul3A_227 : i32
      %add3A_229 = arith.constant 0 : i32
      %add3A_230 = arith.addi %mul3A_228, %add3A_229 : i32
      %mul3A_231 = arith.constant 248 : i32
      %mul3A_232 = arith.muli %add3A_230, %mul3A_231 : i32
      %add3A_233 = arith.constant 1488 : i32
      %add3A_234 = arith.addi %mul3A_2, %add3A_233 : i32
      %dma_start3A_235 = arith.constant 0 : i32
      %dma_start3A_236 = tpu.memref_slice %arg4[%add3A_234, %dma_start3A_235] : memref<65536x256xf32, #tpu.memory_space<hbm>> -> memref<248x256xf32, #tpu.memory_space<hbm>>
      %dma_start3A_237 = arith.constant 0 : i32
      %dma_start3A_238 = tpu.memref_slice %arg5[%mul3A_232, %dma_start3A_237] : memref<7936x256xf32, #tpu.memory_space<vmem_shared>> -> memref<248x256xf32, #tpu.memory_space<vmem_shared>>
      tpu.enqueue_dma source(%dma_start3A_238 : memref<248x256xf32, #tpu.memory_space<vmem_shared>>) target(%dma_start3A_236 : memref<248x256xf32, #tpu.memory_space<hbm>>) target_semaphore(%arg8 : memref<!tpu.dma_semaphore, #tpu.memory_space<semaphore_mem>>)
      %dma_wait3A_239 = arith.constant 0 : i32
      %dma_wait3A_240 = tpu.memref_slice %arg4[%add3A_234, %dma_wait3A_239] : memref<65536x256xf32, #tpu.memory_space<hbm>> -> memref<248x256xf32, #tpu.memory_space<hbm>>
      %dma_wait3A_241 = arith.constant 0 : i32
      %dma_wait3A_242 = tpu.memref_slice %arg5[%mul3A_232, %dma_wait3A_241] : memref<7936x256xf32, #tpu.memory_space<vmem_shared>> -> memref<248x256xf32, #tpu.memory_space<vmem_shared>>
      tpu.wait_dma2 semaphore(%arg8 : memref<!tpu.dma_semaphore, #tpu.memory_space<semaphore_mem>>) src(%dma_wait3A_242 : memref<248x256xf32, #tpu.memory_space<vmem_shared>>) dst(%dma_wait3A_240 : memref<248x256xf32, #tpu.memory_space<hbm>>)
      %add3A_243 = arith.constant 1984 : i32
      %add3A_244 = arith.addi %mul3A_2, %add3A_243 : i32
      %mul3A_245 = arith.constant 2 : i32
      %mul3A_246 = arith.muli %arg1, %mul3A_245 : i32
      %add3A_247 = arith.constant 0 : i32
      %add3A_248 = arith.addi %mul3A_246, %add3A_247 : i32
      %mul3A_249 = arith.constant 248 : i32
      %mul3A_250 = arith.muli %add3A_248, %mul3A_249 : i32
      %dma_start3A_251 = arith.constant 0 : i32
      %dma_start3A_252 = tpu.memref_slice %arg5[%mul3A_250, %dma_start3A_251] : memref<7936x256xf32, #tpu.memory_space<vmem_shared>> -> memref<64x256xf32, #tpu.memory_space<vmem_shared>>
      %dma_start3A_253 = arith.constant 0 : i32
      %dma_start3A_254 = tpu.memref_slice %arg2[%add3A_244, %dma_start3A_253] : memref<4096x256xf32, #tpu.memory_space<hbm>> -> memref<64x256xf32, #tpu.memory_space<hbm>>
      tpu.enqueue_dma source(%dma_start3A_254 : memref<64x256xf32, #tpu.memory_space<hbm>>) target(%dma_start3A_252 : memref<64x256xf32, #tpu.memory_space<vmem_shared>>) target_semaphore(%arg6 : memref<!tpu.dma_semaphore, #tpu.memory_space<semaphore_mem>>)
      %dma_wait3A_255 = arith.constant 0 : i32
      %dma_wait3A_256 = tpu.memref_slice %arg5[%mul3A_218, %dma_wait3A_255] : memref<7936x256xf32, #tpu.memory_space<vmem_shared>> -> memref<248x256xf32, #tpu.memory_space<vmem_shared>>
      %dma_wait3A_257 = arith.constant 0 : i32
      %dma_wait3A_258 = tpu.memref_slice %arg2[%add3A_212, %dma_wait3A_257] : memref<4096x256xf32, #tpu.memory_space<hbm>> -> memref<248x256xf32, #tpu.memory_space<hbm>>
      tpu.wait_dma2 semaphore(%arg7 : memref<!tpu.dma_semaphore, #tpu.memory_space<semaphore_mem>>) src(%dma_wait3A_258 : memref<248x256xf32, #tpu.memory_space<hbm>>) dst(%dma_wait3A_256 : memref<248x256xf32, #tpu.memory_space<vmem_shared>>)
      %mul3A_259 = arith.constant 2 : i32
      %mul3A_260 = arith.muli %arg1, %mul3A_259 : i32
      %add3A_261 = arith.constant 1 : i32
      %add3A_262 = arith.addi %mul3A_260, %add3A_261 : i32
      %mul3A_263 = arith.constant 248 : i32
      %mul3A_264 = arith.muli %add3A_262, %mul3A_263 : i32
      %add3A_265 = arith.constant 1736 : i32
      %add3A_266 = arith.addi %mul3A_2, %add3A_265 : i32
      %dma_start3A_267 = arith.constant 0 : i32
      %dma_start3A_268 = tpu.memref_slice %arg4[%add3A_266, %dma_start3A_267] : memref<65536x256xf32, #tpu.memory_space<hbm>> -> memref<248x256xf32, #tpu.memory_space<hbm>>
      %dma_start3A_269 = arith.constant 0 : i32
      %dma_start3A_270 = tpu.memref_slice %arg5[%mul3A_264, %dma_start3A_269] : memref<7936x256xf32, #tpu.memory_space<vmem_shared>> -> memref<248x256xf32, #tpu.memory_space<vmem_shared>>
      tpu.enqueue_dma source(%dma_start3A_270 : memref<248x256xf32, #tpu.memory_space<vmem_shared>>) target(%dma_start3A_268 : memref<248x256xf32, #tpu.memory_space<hbm>>) target_semaphore(%arg9 : memref<!tpu.dma_semaphore, #tpu.memory_space<semaphore_mem>>)
      %dma_wait3A_271 = arith.constant 0 : i32
      %dma_wait3A_272 = tpu.memref_slice %arg5[%mul3A_250, %dma_wait3A_271] : memref<7936x256xf32, #tpu.memory_space<vmem_shared>> -> memref<64x256xf32, #tpu.memory_space<vmem_shared>>
      %dma_wait3A_273 = arith.constant 0 : i32
      %dma_wait3A_274 = tpu.memref_slice %arg2[%add3A_244, %dma_wait3A_273] : memref<4096x256xf32, #tpu.memory_space<hbm>> -> memref<64x256xf32, #tpu.memory_space<hbm>>
      tpu.wait_dma2 semaphore(%arg6 : memref<!tpu.dma_semaphore, #tpu.memory_space<semaphore_mem>>) src(%dma_wait3A_274 : memref<64x256xf32, #tpu.memory_space<hbm>>) dst(%dma_wait3A_272 : memref<64x256xf32, #tpu.memory_space<vmem_shared>>)
      %mul3A_275 = arith.constant 2 : i32
      %mul3A_276 = arith.muli %arg1, %mul3A_275 : i32
      %add3A_277 = arith.constant 0 : i32
      %add3A_278 = arith.addi %mul3A_276, %add3A_277 : i32
      %mul3A_279 = arith.constant 248 : i32
      %mul3A_280 = arith.muli %add3A_278, %mul3A_279 : i32
      %add3A_281 = arith.constant 1984 : i32
      %add3A_282 = arith.addi %mul3A_2, %add3A_281 : i32
      %dma_start3A_283 = arith.constant 0 : i32
      %dma_start3A_284 = tpu.memref_slice %arg4[%add3A_282, %dma_start3A_283] : memref<65536x256xf32, #tpu.memory_space<hbm>> -> memref<64x256xf32, #tpu.memory_space<hbm>>
      %dma_start3A_285 = arith.constant 0 : i32
      %dma_start3A_286 = tpu.memref_slice %arg5[%mul3A_280, %dma_start3A_285] : memref<7936x256xf32, #tpu.memory_space<vmem_shared>> -> memref<64x256xf32, #tpu.memory_space<vmem_shared>>
      tpu.enqueue_dma source(%dma_start3A_286 : memref<64x256xf32, #tpu.memory_space<vmem_shared>>) target(%dma_start3A_284 : memref<64x256xf32, #tpu.memory_space<hbm>>) target_semaphore(%arg8 : memref<!tpu.dma_semaphore, #tpu.memory_space<semaphore_mem>>)
      %dma_wait3A_287 = arith.constant 0 : i32
      %dma_wait3A_288 = tpu.memref_slice %arg4[%add3A_266, %dma_wait3A_287] : memref<65536x256xf32, #tpu.memory_space<hbm>> -> memref<248x256xf32, #tpu.memory_space<hbm>>
      %dma_wait3A_289 = arith.constant 0 : i32
      %dma_wait3A_290 = tpu.memref_slice %arg5[%mul3A_264, %dma_wait3A_289] : memref<7936x256xf32, #tpu.memory_space<vmem_shared>> -> memref<248x256xf32, #tpu.memory_space<vmem_shared>>
      tpu.wait_dma2 semaphore(%arg9 : memref<!tpu.dma_semaphore, #tpu.memory_space<semaphore_mem>>) src(%dma_wait3A_290 : memref<248x256xf32, #tpu.memory_space<vmem_shared>>) dst(%dma_wait3A_288 : memref<248x256xf32, #tpu.memory_space<hbm>>)
      %dma_wait3A_291 = arith.constant 0 : i32
      %dma_wait3A_292 = tpu.memref_slice %arg4[%add3A_282, %dma_wait3A_291] : memref<65536x256xf32, #tpu.memory_space<hbm>> -> memref<64x256xf32, #tpu.memory_space<hbm>>
      %dma_wait3A_293 = arith.constant 0 : i32
      %dma_wait3A_294 = tpu.memref_slice %arg5[%mul3A_280, %dma_wait3A_293] : memref<7936x256xf32, #tpu.memory_space<vmem_shared>> -> memref<64x256xf32, #tpu.memory_space<vmem_shared>>
      tpu.wait_dma2 semaphore(%arg8 : memref<!tpu.dma_semaphore, #tpu.memory_space<semaphore_mem>>) src(%dma_wait3A_294 : memref<64x256xf32, #tpu.memory_space<vmem_shared>>) dst(%dma_wait3A_292 : memref<64x256xf32, #tpu.memory_space<hbm>>)
    } else {
    }
    %ge3A = arith.constant 4096 : i32
    %ge3A_5 = arith.cmpi sge, %mul3A_2, %ge3A : i32
    %convert_element_type3A_6 = arith.extui %ge3A_5 : i1 to i32
    %cond3A_7 = arith.constant 0 : i32
    %cond3A_8 = arith.cmpi ne, %convert_element_type3A_6, %cond3A_7 : i32
    scf.if %cond3A_8 {
      %sub3A = arith.constant 4096 : i32
      %sub3A_9 = arith.subi %mul3A_2, %sub3A : i32
      %add3A_10 = arith.constant 0 : i32
      %add3A_11 = arith.addi %sub3A_9, %add3A_10 : i32
      %mul3A_12 = arith.constant 2 : i32
      %mul3A_13 = arith.muli %arg1, %mul3A_12 : i32
      %add3A_14 = arith.constant 0 : i32
      %add3A_15 = arith.addi %mul3A_13, %add3A_14 : i32
      %mul3A_16 = arith.constant 248 : i32
      %mul3A_17 = arith.muli %add3A_15, %mul3A_16 : i32
      %dma_start3A = arith.constant 0 : i32
      %dma_start3A_18 = tpu.memref_slice %arg5[%mul3A_17, %dma_start3A] : memref<7936x256xf32, #tpu.memory_space<vmem_shared>> -> memref<248x256xf32, #tpu.memory_space<vmem_shared>>
      %dma_start3A_19 = arith.constant 0 : i32
      %dma_start3A_20 = tpu.memref_slice %arg3[%add3A_11, %dma_start3A_19] : memref<65536x256xf32, #tpu.memory_space<hbm>> -> memref<248x256xf32, #tpu.memory_space<hbm>>
      tpu.enqueue_dma source(%dma_start3A_20 : memref<248x256xf32, #tpu.memory_space<hbm>>) target(%dma_start3A_18 : memref<248x256xf32, #tpu.memory_space<vmem_shared>>) target_semaphore(%arg6 : memref<!tpu.dma_semaphore, #tpu.memory_space<semaphore_mem>>)
      %add3A_21 = arith.constant 248 : i32
      %add3A_22 = arith.addi %sub3A_9, %add3A_21 : i32
      %mul3A_23 = arith.constant 2 : i32
      %mul3A_24 = arith.muli %arg1, %mul3A_23 : i32
      %add3A_25 = arith.constant 1 : i32
      %add3A_26 = arith.addi %mul3A_24, %add3A_25 : i32
      %mul3A_27 = arith.constant 248 : i32
      %mul3A_28 = arith.muli %add3A_26, %mul3A_27 : i32
      %dma_start3A_29 = arith.constant 0 : i32
      %dma_start3A_30 = tpu.memref_slice %arg5[%mul3A_28, %dma_start3A_29] : memref<7936x256xf32, #tpu.memory_space<vmem_shared>> -> memref<248x256xf32, #tpu.memory_space<vmem_shared>>
      %dma_start3A_31 = arith.constant 0 : i32
      %dma_start3A_32 = tpu.memref_slice %arg3[%add3A_22, %dma_start3A_31] : memref<65536x256xf32, #tpu.memory_space<hbm>> -> memref<248x256xf32, #tpu.memory_space<hbm>>
      tpu.enqueue_dma source(%dma_start3A_32 : memref<248x256xf32, #tpu.memory_space<hbm>>) target(%dma_start3A_30 : memref<248x256xf32, #tpu.memory_space<vmem_shared>>) target_semaphore(%arg7 : memref<!tpu.dma_semaphore, #tpu.memory_space<semaphore_mem>>)
      %dma_wait3A = arith.constant 0 : i32
      %dma_wait3A_33 = tpu.memref_slice %arg5[%mul3A_17, %dma_wait3A] : memref<7936x256xf32, #tpu.memory_space<vmem_shared>> -> memref<248x256xf32, #tpu.memory_space<vmem_shared>>
      %dma_wait3A_34 = arith.constant 0 : i32
      %dma_wait3A_35 = tpu.memref_slice %arg3[%add3A_11, %dma_wait3A_34] : memref<65536x256xf32, #tpu.memory_space<hbm>> -> memref<248x256xf32, #tpu.memory_space<hbm>>
      tpu.wait_dma2 semaphore(%arg6 : memref<!tpu.dma_semaphore, #tpu.memory_space<semaphore_mem>>) src(%dma_wait3A_35 : memref<248x256xf32, #tpu.memory_space<hbm>>) dst(%dma_wait3A_33 : memref<248x256xf32, #tpu.memory_space<vmem_shared>>)
      %mul3A_36 = arith.constant 2 : i32
      %mul3A_37 = arith.muli %arg1, %mul3A_36 : i32
      %add3A_38 = arith.constant 0 : i32
      %add3A_39 = arith.addi %mul3A_37, %add3A_38 : i32
      %mul3A_40 = arith.constant 248 : i32
      %mul3A_41 = arith.muli %add3A_39, %mul3A_40 : i32
      %add3A_42 = arith.constant 0 : i32
      %add3A_43 = arith.addi %mul3A_2, %add3A_42 : i32
      %dma_start3A_44 = arith.constant 0 : i32
      %dma_start3A_45 = tpu.memref_slice %arg4[%add3A_43, %dma_start3A_44] : memref<65536x256xf32, #tpu.memory_space<hbm>> -> memref<248x256xf32, #tpu.memory_space<hbm>>
      %dma_start3A_46 = arith.constant 0 : i32
      %dma_start3A_47 = tpu.memref_slice %arg5[%mul3A_41, %dma_start3A_46] : memref<7936x256xf32, #tpu.memory_space<vmem_shared>> -> memref<248x256xf32, #tpu.memory_space<vmem_shared>>
      tpu.enqueue_dma source(%dma_start3A_47 : memref<248x256xf32, #tpu.memory_space<vmem_shared>>) target(%dma_start3A_45 : memref<248x256xf32, #tpu.memory_space<hbm>>) target_semaphore(%arg8 : memref<!tpu.dma_semaphore, #tpu.memory_space<semaphore_mem>>)
      %dma_wait3A_48 = arith.constant 0 : i32
      %dma_wait3A_49 = tpu.memref_slice %arg4[%add3A_43, %dma_wait3A_48] : memref<65536x256xf32, #tpu.memory_space<hbm>> -> memref<248x256xf32, #tpu.memory_space<hbm>>
      %dma_wait3A_50 = arith.constant 0 : i32
      %dma_wait3A_51 = tpu.memref_slice %arg5[%mul3A_41, %dma_wait3A_50] : memref<7936x256xf32, #tpu.memory_space<vmem_shared>> -> memref<248x256xf32, #tpu.memory_space<vmem_shared>>
      tpu.wait_dma2 semaphore(%arg8 : memref<!tpu.dma_semaphore, #tpu.memory_space<semaphore_mem>>) src(%dma_wait3A_51 : memref<248x256xf32, #tpu.memory_space<vmem_shared>>) dst(%dma_wait3A_49 : memref<248x256xf32, #tpu.memory_space<hbm>>)
      %add3A_52 = arith.constant 496 : i32
      %add3A_53 = arith.addi %sub3A_9, %add3A_52 : i32
      %mul3A_54 = arith.constant 2 : i32
      %mul3A_55 = arith.muli %arg1, %mul3A_54 : i32
      %add3A_56 = arith.constant 0 : i32
      %add3A_57 = arith.addi %mul3A_55, %add3A_56 : i32
      %mul3A_58 = arith.constant 248 : i32
      %mul3A_59 = arith.muli %add3A_57, %mul3A_58 : i32
      %dma_start3A_60 = arith.constant 0 : i32
      %dma_start3A_61 = tpu.memref_slice %arg5[%mul3A_59, %dma_start3A_60] : memref<7936x256xf32, #tpu.memory_space<vmem_shared>> -> memref<248x256xf32, #tpu.memory_space<vmem_shared>>
      %dma_start3A_62 = arith.constant 0 : i32
      %dma_start3A_63 = tpu.memref_slice %arg3[%add3A_53, %dma_start3A_62] : memref<65536x256xf32, #tpu.memory_space<hbm>> -> memref<248x256xf32, #tpu.memory_space<hbm>>
      tpu.enqueue_dma source(%dma_start3A_63 : memref<248x256xf32, #tpu.memory_space<hbm>>) target(%dma_start3A_61 : memref<248x256xf32, #tpu.memory_space<vmem_shared>>) target_semaphore(%arg6 : memref<!tpu.dma_semaphore, #tpu.memory_space<semaphore_mem>>)
      %dma_wait3A_64 = arith.constant 0 : i32
      %dma_wait3A_65 = tpu.memref_slice %arg5[%mul3A_28, %dma_wait3A_64] : memref<7936x256xf32, #tpu.memory_space<vmem_shared>> -> memref<248x256xf32, #tpu.memory_space<vmem_shared>>
      %dma_wait3A_66 = arith.constant 0 : i32
      %dma_wait3A_67 = tpu.memref_slice %arg3[%add3A_22, %dma_wait3A_66] : memref<65536x256xf32, #tpu.memory_space<hbm>> -> memref<248x256xf32, #tpu.memory_space<hbm>>
      tpu.wait_dma2 semaphore(%arg7 : memref<!tpu.dma_semaphore, #tpu.memory_space<semaphore_mem>>) src(%dma_wait3A_67 : memref<248x256xf32, #tpu.memory_space<hbm>>) dst(%dma_wait3A_65 : memref<248x256xf32, #tpu.memory_space<vmem_shared>>)
      %mul3A_68 = arith.constant 2 : i32
      %mul3A_69 = arith.muli %arg1, %mul3A_68 : i32
      %add3A_70 = arith.constant 1 : i32
      %add3A_71 = arith.addi %mul3A_69, %add3A_70 : i32
      %mul3A_72 = arith.constant 248 : i32
      %mul3A_73 = arith.muli %add3A_71, %mul3A_72 : i32
      %add3A_74 = arith.constant 248 : i32
      %add3A_75 = arith.addi %mul3A_2, %add3A_74 : i32
      %dma_start3A_76 = arith.constant 0 : i32
      %dma_start3A_77 = tpu.memref_slice %arg4[%add3A_75, %dma_start3A_76] : memref<65536x256xf32, #tpu.memory_space<hbm>> -> memref<248x256xf32, #tpu.memory_space<hbm>>
      %dma_start3A_78 = arith.constant 0 : i32
      %dma_start3A_79 = tpu.memref_slice %arg5[%mul3A_73, %dma_start3A_78] : memref<7936x256xf32, #tpu.memory_space<vmem_shared>> -> memref<248x256xf32, #tpu.memory_space<vmem_shared>>
      tpu.enqueue_dma source(%dma_start3A_79 : memref<248x256xf32, #tpu.memory_space<vmem_shared>>) target(%dma_start3A_77 : memref<248x256xf32, #tpu.memory_space<hbm>>) target_semaphore(%arg9 : memref<!tpu.dma_semaphore, #tpu.memory_space<semaphore_mem>>)
      %dma_wait3A_80 = arith.constant 0 : i32
      %dma_wait3A_81 = tpu.memref_slice %arg4[%add3A_75, %dma_wait3A_80] : memref<65536x256xf32, #tpu.memory_space<hbm>> -> memref<248x256xf32, #tpu.memory_space<hbm>>
      %dma_wait3A_82 = arith.constant 0 : i32
      %dma_wait3A_83 = tpu.memref_slice %arg5[%mul3A_73, %dma_wait3A_82] : memref<7936x256xf32, #tpu.memory_space<vmem_shared>> -> memref<248x256xf32, #tpu.memory_space<vmem_shared>>
      tpu.wait_dma2 semaphore(%arg9 : memref<!tpu.dma_semaphore, #tpu.memory_space<semaphore_mem>>) src(%dma_wait3A_83 : memref<248x256xf32, #tpu.memory_space<vmem_shared>>) dst(%dma_wait3A_81 : memref<248x256xf32, #tpu.memory_space<hbm>>)
      %add3A_84 = arith.constant 744 : i32
      %add3A_85 = arith.addi %sub3A_9, %add3A_84 : i32
      %mul3A_86 = arith.constant 2 : i32
      %mul3A_87 = arith.muli %arg1, %mul3A_86 : i32
      %add3A_88 = arith.constant 1 : i32
      %add3A_89 = arith.addi %mul3A_87, %add3A_88 : i32
      %mul3A_90 = arith.constant 248 : i32
      %mul3A_91 = arith.muli %add3A_89, %mul3A_90 : i32
      %dma_start3A_92 = arith.constant 0 : i32
      %dma_start3A_93 = tpu.memref_slice %arg5[%mul3A_91, %dma_start3A_92] : memref<7936x256xf32, #tpu.memory_space<vmem_shared>> -> memref<248x256xf32, #tpu.memory_space<vmem_shared>>
      %dma_start3A_94 = arith.constant 0 : i32
      %dma_start3A_95 = tpu.memref_slice %arg3[%add3A_85, %dma_start3A_94] : memref<65536x256xf32, #tpu.memory_space<hbm>> -> memref<248x256xf32, #tpu.memory_space<hbm>>
      tpu.enqueue_dma source(%dma_start3A_95 : memref<248x256xf32, #tpu.memory_space<hbm>>) target(%dma_start3A_93 : memref<248x256xf32, #tpu.memory_space<vmem_shared>>) target_semaphore(%arg7 : memref<!tpu.dma_semaphore, #tpu.memory_space<semaphore_mem>>)
      %dma_wait3A_96 = arith.constant 0 : i32
      %dma_wait3A_97 = tpu.memref_slice %arg5[%mul3A_59, %dma_wait3A_96] : memref<7936x256xf32, #tpu.memory_space<vmem_shared>> -> memref<248x256xf32, #tpu.memory_space<vmem_shared>>
      %dma_wait3A_98 = arith.constant 0 : i32
      %dma_wait3A_99 = tpu.memref_slice %arg3[%add3A_53, %dma_wait3A_98] : memref<65536x256xf32, #tpu.memory_space<hbm>> -> memref<248x256xf32, #tpu.memory_space<hbm>>
      tpu.wait_dma2 semaphore(%arg6 : memref<!tpu.dma_semaphore, #tpu.memory_space<semaphore_mem>>) src(%dma_wait3A_99 : memref<248x256xf32, #tpu.memory_space<hbm>>) dst(%dma_wait3A_97 : memref<248x256xf32, #tpu.memory_space<vmem_shared>>)
      %mul3A_100 = arith.constant 2 : i32
      %mul3A_101 = arith.muli %arg1, %mul3A_100 : i32
      %add3A_102 = arith.constant 0 : i32
      %add3A_103 = arith.addi %mul3A_101, %add3A_102 : i32
      %mul3A_104 = arith.constant 248 : i32
      %mul3A_105 = arith.muli %add3A_103, %mul3A_104 : i32
      %add3A_106 = arith.constant 496 : i32
      %add3A_107 = arith.addi %mul3A_2, %add3A_106 : i32
      %dma_start3A_108 = arith.constant 0 : i32
      %dma_start3A_109 = tpu.memref_slice %arg4[%add3A_107, %dma_start3A_108] : memref<65536x256xf32, #tpu.memory_space<hbm>> -> memref<248x256xf32, #tpu.memory_space<hbm>>
      %dma_start3A_110 = arith.constant 0 : i32
      %dma_start3A_111 = tpu.memref_slice %arg5[%mul3A_105, %dma_start3A_110] : memref<7936x256xf32, #tpu.memory_space<vmem_shared>> -> memref<248x256xf32, #tpu.memory_space<vmem_shared>>
      tpu.enqueue_dma source(%dma_start3A_111 : memref<248x256xf32, #tpu.memory_space<vmem_shared>>) target(%dma_start3A_109 : memref<248x256xf32, #tpu.memory_space<hbm>>) target_semaphore(%arg8 : memref<!tpu.dma_semaphore, #tpu.memory_space<semaphore_mem>>)
      %dma_wait3A_112 = arith.constant 0 : i32
      %dma_wait3A_113 = tpu.memref_slice %arg4[%add3A_107, %dma_wait3A_112] : memref<65536x256xf32, #tpu.memory_space<hbm>> -> memref<248x256xf32, #tpu.memory_space<hbm>>
      %dma_wait3A_114 = arith.constant 0 : i32
      %dma_wait3A_115 = tpu.memref_slice %arg5[%mul3A_105, %dma_wait3A_114] : memref<7936x256xf32, #tpu.memory_space<vmem_shared>> -> memref<248x256xf32, #tpu.memory_space<vmem_shared>>
      tpu.wait_dma2 semaphore(%arg8 : memref<!tpu.dma_semaphore, #tpu.memory_space<semaphore_mem>>) src(%dma_wait3A_115 : memref<248x256xf32, #tpu.memory_space<vmem_shared>>) dst(%dma_wait3A_113 : memref<248x256xf32, #tpu.memory_space<hbm>>)
      %add3A_116 = arith.constant 992 : i32
      %add3A_117 = arith.addi %sub3A_9, %add3A_116 : i32
      %mul3A_118 = arith.constant 2 : i32
      %mul3A_119 = arith.muli %arg1, %mul3A_118 : i32
      %add3A_120 = arith.constant 0 : i32
      %add3A_121 = arith.addi %mul3A_119, %add3A_120 : i32
      %mul3A_122 = arith.constant 248 : i32
      %mul3A_123 = arith.muli %add3A_121, %mul3A_122 : i32
      %dma_start3A_124 = arith.constant 0 : i32
      %dma_start3A_125 = tpu.memref_slice %arg5[%mul3A_123, %dma_start3A_124] : memref<7936x256xf32, #tpu.memory_space<vmem_shared>> -> memref<248x256xf32, #tpu.memory_space<vmem_shared>>
      %dma_start3A_126 = arith.constant 0 : i32
      %dma_start3A_127 = tpu.memref_slice %arg3[%add3A_117, %dma_start3A_126] : memref<65536x256xf32, #tpu.memory_space<hbm>> -> memref<248x256xf32, #tpu.memory_space<hbm>>
      tpu.enqueue_dma source(%dma_start3A_127 : memref<248x256xf32, #tpu.memory_space<hbm>>) target(%dma_start3A_125 : memref<248x256xf32, #tpu.memory_space<vmem_shared>>) target_semaphore(%arg6 : memref<!tpu.dma_semaphore, #tpu.memory_space<semaphore_mem>>)
      %dma_wait3A_128 = arith.constant 0 : i32
      %dma_wait3A_129 = tpu.memref_slice %arg5[%mul3A_91, %dma_wait3A_128] : memref<7936x256xf32, #tpu.memory_space<vmem_shared>> -> memref<248x256xf32, #tpu.memory_space<vmem_shared>>
      %dma_wait3A_130 = arith.constant 0 : i32
      %dma_wait3A_131 = tpu.memref_slice %arg3[%add3A_85, %dma_wait3A_130] : memref<65536x256xf32, #tpu.memory_space<hbm>> -> memref<248x256xf32, #tpu.memory_space<hbm>>
      tpu.wait_dma2 semaphore(%arg7 : memref<!tpu.dma_semaphore, #tpu.memory_space<semaphore_mem>>) src(%dma_wait3A_131 : memref<248x256xf32, #tpu.memory_space<hbm>>) dst(%dma_wait3A_129 : memref<248x256xf32, #tpu.memory_space<vmem_shared>>)
      %mul3A_132 = arith.constant 2 : i32
      %mul3A_133 = arith.muli %arg1, %mul3A_132 : i32
      %add3A_134 = arith.constant 1 : i32
      %add3A_135 = arith.addi %mul3A_133, %add3A_134 : i32
      %mul3A_136 = arith.constant 248 : i32
      %mul3A_137 = arith.muli %add3A_135, %mul3A_136 : i32
      %add3A_138 = arith.constant 744 : i32
      %add3A_139 = arith.addi %mul3A_2, %add3A_138 : i32
      %dma_start3A_140 = arith.constant 0 : i32
      %dma_start3A_141 = tpu.memref_slice %arg4[%add3A_139, %dma_start3A_140] : memref<65536x256xf32, #tpu.memory_space<hbm>> -> memref<248x256xf32, #tpu.memory_space<hbm>>
      %dma_start3A_142 = arith.constant 0 : i32
      %dma_start3A_143 = tpu.memref_slice %arg5[%mul3A_137, %dma_start3A_142] : memref<7936x256xf32, #tpu.memory_space<vmem_shared>> -> memref<248x256xf32, #tpu.memory_space<vmem_shared>>
      tpu.enqueue_dma source(%dma_start3A_143 : memref<248x256xf32, #tpu.memory_space<vmem_shared>>) target(%dma_start3A_141 : memref<248x256xf32, #tpu.memory_space<hbm>>) target_semaphore(%arg9 : memref<!tpu.dma_semaphore, #tpu.memory_space<semaphore_mem>>)
      %dma_wait3A_144 = arith.constant 0 : i32
      %dma_wait3A_145 = tpu.memref_slice %arg4[%add3A_139, %dma_wait3A_144] : memref<65536x256xf32, #tpu.memory_space<hbm>> -> memref<248x256xf32, #tpu.memory_space<hbm>>
      %dma_wait3A_146 = arith.constant 0 : i32
      %dma_wait3A_147 = tpu.memref_slice %arg5[%mul3A_137, %dma_wait3A_146] : memref<7936x256xf32, #tpu.memory_space<vmem_shared>> -> memref<248x256xf32, #tpu.memory_space<vmem_shared>>
      tpu.wait_dma2 semaphore(%arg9 : memref<!tpu.dma_semaphore, #tpu.memory_space<semaphore_mem>>) src(%dma_wait3A_147 : memref<248x256xf32, #tpu.memory_space<vmem_shared>>) dst(%dma_wait3A_145 : memref<248x256xf32, #tpu.memory_space<hbm>>)
      %add3A_148 = arith.constant 1240 : i32
      %add3A_149 = arith.addi %sub3A_9, %add3A_148 : i32
      %mul3A_150 = arith.constant 2 : i32
      %mul3A_151 = arith.muli %arg1, %mul3A_150 : i32
      %add3A_152 = arith.constant 1 : i32
      %add3A_153 = arith.addi %mul3A_151, %add3A_152 : i32
      %mul3A_154 = arith.constant 248 : i32
      %mul3A_155 = arith.muli %add3A_153, %mul3A_154 : i32
      %dma_start3A_156 = arith.constant 0 : i32
      %dma_start3A_157 = tpu.memref_slice %arg5[%mul3A_155, %dma_start3A_156] : memref<7936x256xf32, #tpu.memory_space<vmem_shared>> -> memref<248x256xf32, #tpu.memory_space<vmem_shared>>
      %dma_start3A_158 = arith.constant 0 : i32
      %dma_start3A_159 = tpu.memref_slice %arg3[%add3A_149, %dma_start3A_158] : memref<65536x256xf32, #tpu.memory_space<hbm>> -> memref<248x256xf32, #tpu.memory_space<hbm>>
      tpu.enqueue_dma source(%dma_start3A_159 : memref<248x256xf32, #tpu.memory_space<hbm>>) target(%dma_start3A_157 : memref<248x256xf32, #tpu.memory_space<vmem_shared>>) target_semaphore(%arg7 : memref<!tpu.dma_semaphore, #tpu.memory_space<semaphore_mem>>)
      %dma_wait3A_160 = arith.constant 0 : i32
      %dma_wait3A_161 = tpu.memref_slice %arg5[%mul3A_123, %dma_wait3A_160] : memref<7936x256xf32, #tpu.memory_space<vmem_shared>> -> memref<248x256xf32, #tpu.memory_space<vmem_shared>>
      %dma_wait3A_162 = arith.constant 0 : i32
      %dma_wait3A_163 = tpu.memref_slice %arg3[%add3A_117, %dma_wait3A_162] : memref<65536x256xf32, #tpu.memory_space<hbm>> -> memref<248x256xf32, #tpu.memory_space<hbm>>
      tpu.wait_dma2 semaphore(%arg6 : memref<!tpu.dma_semaphore, #tpu.memory_space<semaphore_mem>>) src(%dma_wait3A_163 : memref<248x256xf32, #tpu.memory_space<hbm>>) dst(%dma_wait3A_161 : memref<248x256xf32, #tpu.memory_space<vmem_shared>>)
      %mul3A_164 = arith.constant 2 : i32
      %mul3A_165 = arith.muli %arg1, %mul3A_164 : i32
      %add3A_166 = arith.constant 0 : i32
      %add3A_167 = arith.addi %mul3A_165, %add3A_166 : i32
      %mul3A_168 = arith.constant 248 : i32
      %mul3A_169 = arith.muli %add3A_167, %mul3A_168 : i32
      %add3A_170 = arith.constant 992 : i32
      %add3A_171 = arith.addi %mul3A_2, %add3A_170 : i32
      %dma_start3A_172 = arith.constant 0 : i32
      %dma_start3A_173 = tpu.memref_slice %arg4[%add3A_171, %dma_start3A_172] : memref<65536x256xf32, #tpu.memory_space<hbm>> -> memref<248x256xf32, #tpu.memory_space<hbm>>
      %dma_start3A_174 = arith.constant 0 : i32
      %dma_start3A_175 = tpu.memref_slice %arg5[%mul3A_169, %dma_start3A_174] : memref<7936x256xf32, #tpu.memory_space<vmem_shared>> -> memref<248x256xf32, #tpu.memory_space<vmem_shared>>
      tpu.enqueue_dma source(%dma_start3A_175 : memref<248x256xf32, #tpu.memory_space<vmem_shared>>) target(%dma_start3A_173 : memref<248x256xf32, #tpu.memory_space<hbm>>) target_semaphore(%arg8 : memref<!tpu.dma_semaphore, #tpu.memory_space<semaphore_mem>>)
      %dma_wait3A_176 = arith.constant 0 : i32
      %dma_wait3A_177 = tpu.memref_slice %arg4[%add3A_171, %dma_wait3A_176] : memref<65536x256xf32, #tpu.memory_space<hbm>> -> memref<248x256xf32, #tpu.memory_space<hbm>>
      %dma_wait3A_178 = arith.constant 0 : i32
      %dma_wait3A_179 = tpu.memref_slice %arg5[%mul3A_169, %dma_wait3A_178] : memref<7936x256xf32, #tpu.memory_space<vmem_shared>> -> memref<248x256xf32, #tpu.memory_space<vmem_shared>>
      tpu.wait_dma2 semaphore(%arg8 : memref<!tpu.dma_semaphore, #tpu.memory_space<semaphore_mem>>) src(%dma_wait3A_179 : memref<248x256xf32, #tpu.memory_space<vmem_shared>>) dst(%dma_wait3A_177 : memref<248x256xf32, #tpu.memory_space<hbm>>)
      %add3A_180 = arith.constant 1488 : i32
      %add3A_181 = arith.addi %sub3A_9, %add3A_180 : i32
      %mul3A_182 = arith.constant 2 : i32
      %mul3A_183 = arith.muli %arg1, %mul3A_182 : i32
      %add3A_184 = arith.constant 0 : i32
      %add3A_185 = arith.addi %mul3A_183, %add3A_184 : i32
      %mul3A_186 = arith.constant 248 : i32
      %mul3A_187 = arith.muli %add3A_185, %mul3A_186 : i32
      %dma_start3A_188 = arith.constant 0 : i32
      %dma_start3A_189 = tpu.memref_slice %arg5[%mul3A_187, %dma_start3A_188] : memref<7936x256xf32, #tpu.memory_space<vmem_shared>> -> memref<248x256xf32, #tpu.memory_space<vmem_shared>>
      %dma_start3A_190 = arith.constant 0 : i32
      %dma_start3A_191 = tpu.memref_slice %arg3[%add3A_181, %dma_start3A_190] : memref<65536x256xf32, #tpu.memory_space<hbm>> -> memref<248x256xf32, #tpu.memory_space<hbm>>
      tpu.enqueue_dma source(%dma_start3A_191 : memref<248x256xf32, #tpu.memory_space<hbm>>) target(%dma_start3A_189 : memref<248x256xf32, #tpu.memory_space<vmem_shared>>) target_semaphore(%arg6 : memref<!tpu.dma_semaphore, #tpu.memory_space<semaphore_mem>>)
      %dma_wait3A_192 = arith.constant 0 : i32
      %dma_wait3A_193 = tpu.memref_slice %arg5[%mul3A_155, %dma_wait3A_192] : memref<7936x256xf32, #tpu.memory_space<vmem_shared>> -> memref<248x256xf32, #tpu.memory_space<vmem_shared>>
      %dma_wait3A_194 = arith.constant 0 : i32
      %dma_wait3A_195 = tpu.memref_slice %arg3[%add3A_149, %dma_wait3A_194] : memref<65536x256xf32, #tpu.memory_space<hbm>> -> memref<248x256xf32, #tpu.memory_space<hbm>>
      tpu.wait_dma2 semaphore(%arg7 : memref<!tpu.dma_semaphore, #tpu.memory_space<semaphore_mem>>) src(%dma_wait3A_195 : memref<248x256xf32, #tpu.memory_space<hbm>>) dst(%dma_wait3A_193 : memref<248x256xf32, #tpu.memory_space<vmem_shared>>)
      %mul3A_196 = arith.constant 2 : i32
      %mul3A_197 = arith.muli %arg1, %mul3A_196 : i32
      %add3A_198 = arith.constant 1 : i32
      %add3A_199 = arith.addi %mul3A_197, %add3A_198 : i32
      %mul3A_200 = arith.constant 248 : i32
      %mul3A_201 = arith.muli %add3A_199, %mul3A_200 : i32
      %add3A_202 = arith.constant 1240 : i32
      %add3A_203 = arith.addi %mul3A_2, %add3A_202 : i32
      %dma_start3A_204 = arith.constant 0 : i32
      %dma_start3A_205 = tpu.memref_slice %arg4[%add3A_203, %dma_start3A_204] : memref<65536x256xf32, #tpu.memory_space<hbm>> -> memref<248x256xf32, #tpu.memory_space<hbm>>
      %dma_start3A_206 = arith.constant 0 : i32
      %dma_start3A_207 = tpu.memref_slice %arg5[%mul3A_201, %dma_start3A_206] : memref<7936x256xf32, #tpu.memory_space<vmem_shared>> -> memref<248x256xf32, #tpu.memory_space<vmem_shared>>
      tpu.enqueue_dma source(%dma_start3A_207 : memref<248x256xf32, #tpu.memory_space<vmem_shared>>) target(%dma_start3A_205 : memref<248x256xf32, #tpu.memory_space<hbm>>) target_semaphore(%arg9 : memref<!tpu.dma_semaphore, #tpu.memory_space<semaphore_mem>>)
      %dma_wait3A_208 = arith.constant 0 : i32
      %dma_wait3A_209 = tpu.memref_slice %arg4[%add3A_203, %dma_wait3A_208] : memref<65536x256xf32, #tpu.memory_space<hbm>> -> memref<248x256xf32, #tpu.memory_space<hbm>>
      %dma_wait3A_210 = arith.constant 0 : i32
      %dma_wait3A_211 = tpu.memref_slice %arg5[%mul3A_201, %dma_wait3A_210] : memref<7936x256xf32, #tpu.memory_space<vmem_shared>> -> memref<248x256xf32, #tpu.memory_space<vmem_shared>>
      tpu.wait_dma2 semaphore(%arg9 : memref<!tpu.dma_semaphore, #tpu.memory_space<semaphore_mem>>) src(%dma_wait3A_211 : memref<248x256xf32, #tpu.memory_space<vmem_shared>>) dst(%dma_wait3A_209 : memref<248x256xf32, #tpu.memory_space<hbm>>)
      %add3A_212 = arith.constant 1736 : i32
      %add3A_213 = arith.addi %sub3A_9, %add3A_212 : i32
      %mul3A_214 = arith.constant 2 : i32
      %mul3A_215 = arith.muli %arg1, %mul3A_214 : i32
      %add3A_216 = arith.constant 1 : i32
      %add3A_217 = arith.addi %mul3A_215, %add3A_216 : i32
      %mul3A_218 = arith.constant 248 : i32
      %mul3A_219 = arith.muli %add3A_217, %mul3A_218 : i32
      %dma_start3A_220 = arith.constant 0 : i32
      %dma_start3A_221 = tpu.memref_slice %arg5[%mul3A_219, %dma_start3A_220] : memref<7936x256xf32, #tpu.memory_space<vmem_shared>> -> memref<248x256xf32, #tpu.memory_space<vmem_shared>>
      %dma_start3A_222 = arith.constant 0 : i32
      %dma_start3A_223 = tpu.memref_slice %arg3[%add3A_213, %dma_start3A_222] : memref<65536x256xf32, #tpu.memory_space<hbm>> -> memref<248x256xf32, #tpu.memory_space<hbm>>
      tpu.enqueue_dma source(%dma_start3A_223 : memref<248x256xf32, #tpu.memory_space<hbm>>) target(%dma_start3A_221 : memref<248x256xf32, #tpu.memory_space<vmem_shared>>) target_semaphore(%arg7 : memref<!tpu.dma_semaphore, #tpu.memory_space<semaphore_mem>>)
      %dma_wait3A_224 = arith.constant 0 : i32
      %dma_wait3A_225 = tpu.memref_slice %arg5[%mul3A_187, %dma_wait3A_224] : memref<7936x256xf32, #tpu.memory_space<vmem_shared>> -> memref<248x256xf32, #tpu.memory_space<vmem_shared>>
      %dma_wait3A_226 = arith.constant 0 : i32
      %dma_wait3A_227 = tpu.memref_slice %arg3[%add3A_181, %dma_wait3A_226] : memref<65536x256xf32, #tpu.memory_space<hbm>> -> memref<248x256xf32, #tpu.memory_space<hbm>>
      tpu.wait_dma2 semaphore(%arg6 : memref<!tpu.dma_semaphore, #tpu.memory_space<semaphore_mem>>) src(%dma_wait3A_227 : memref<248x256xf32, #tpu.memory_space<hbm>>) dst(%dma_wait3A_225 : memref<248x256xf32, #tpu.memory_space<vmem_shared>>)
      %mul3A_228 = arith.constant 2 : i32
      %mul3A_229 = arith.muli %arg1, %mul3A_228 : i32
      %add3A_230 = arith.constant 0 : i32
      %add3A_231 = arith.addi %mul3A_229, %add3A_230 : i32
      %mul3A_232 = arith.constant 248 : i32
      %mul3A_233 = arith.muli %add3A_231, %mul3A_232 : i32
      %add3A_234 = arith.constant 1488 : i32
      %add3A_235 = arith.addi %mul3A_2, %add3A_234 : i32
      %dma_start3A_236 = arith.constant 0 : i32
      %dma_start3A_237 = tpu.memref_slice %arg4[%add3A_235, %dma_start3A_236] : memref<65536x256xf32, #tpu.memory_space<hbm>> -> memref<248x256xf32, #tpu.memory_space<hbm>>
      %dma_start3A_238 = arith.constant 0 : i32
      %dma_start3A_239 = tpu.memref_slice %arg5[%mul3A_233, %dma_start3A_238] : memref<7936x256xf32, #tpu.memory_space<vmem_shared>> -> memref<248x256xf32, #tpu.memory_space<vmem_shared>>
      tpu.enqueue_dma source(%dma_start3A_239 : memref<248x256xf32, #tpu.memory_space<vmem_shared>>) target(%dma_start3A_237 : memref<248x256xf32, #tpu.memory_space<hbm>>) target_semaphore(%arg8 : memref<!tpu.dma_semaphore, #tpu.memory_space<semaphore_mem>>)
      %dma_wait3A_240 = arith.constant 0 : i32
      %dma_wait3A_241 = tpu.memref_slice %arg4[%add3A_235, %dma_wait3A_240] : memref<65536x256xf32, #tpu.memory_space<hbm>> -> memref<248x256xf32, #tpu.memory_space<hbm>>
      %dma_wait3A_242 = arith.constant 0 : i32
      %dma_wait3A_243 = tpu.memref_slice %arg5[%mul3A_233, %dma_wait3A_242] : memref<7936x256xf32, #tpu.memory_space<vmem_shared>> -> memref<248x256xf32, #tpu.memory_space<vmem_shared>>
      tpu.wait_dma2 semaphore(%arg8 : memref<!tpu.dma_semaphore, #tpu.memory_space<semaphore_mem>>) src(%dma_wait3A_243 : memref<248x256xf32, #tpu.memory_space<vmem_shared>>) dst(%dma_wait3A_241 : memref<248x256xf32, #tpu.memory_space<hbm>>)
      %add3A_244 = arith.constant 1984 : i32
      %add3A_245 = arith.addi %sub3A_9, %add3A_244 : i32
      %mul3A_246 = arith.constant 2 : i32
      %mul3A_247 = arith.muli %arg1, %mul3A_246 : i32
      %add3A_248 = arith.constant 0 : i32
      %add3A_249 = arith.addi %mul3A_247, %add3A_248 : i32
      %mul3A_250 = arith.constant 248 : i32
      %mul3A_251 = arith.muli %add3A_249, %mul3A_250 : i32
      %dma_start3A_252 = arith.constant 0 : i32
      %dma_start3A_253 = tpu.memref_slice %arg5[%mul3A_251, %dma_start3A_252] : memref<7936x256xf32, #tpu.memory_space<vmem_shared>> -> memref<64x256xf32, #tpu.memory_space<vmem_shared>>
      %dma_start3A_254 = arith.constant 0 : i32
      %dma_start3A_255 = tpu.memref_slice %arg3[%add3A_245, %dma_start3A_254] : memref<65536x256xf32, #tpu.memory_space<hbm>> -> memref<64x256xf32, #tpu.memory_space<hbm>>
      tpu.enqueue_dma source(%dma_start3A_255 : memref<64x256xf32, #tpu.memory_space<hbm>>) target(%dma_start3A_253 : memref<64x256xf32, #tpu.memory_space<vmem_shared>>) target_semaphore(%arg6 : memref<!tpu.dma_semaphore, #tpu.memory_space<semaphore_mem>>)
      %dma_wait3A_256 = arith.constant 0 : i32
      %dma_wait3A_257 = tpu.memref_slice %arg5[%mul3A_219, %dma_wait3A_256] : memref<7936x256xf32, #tpu.memory_space<vmem_shared>> -> memref<248x256xf32, #tpu.memory_space<vmem_shared>>
      %dma_wait3A_258 = arith.constant 0 : i32
      %dma_wait3A_259 = tpu.memref_slice %arg3[%add3A_213, %dma_wait3A_258] : memref<65536x256xf32, #tpu.memory_space<hbm>> -> memref<248x256xf32, #tpu.memory_space<hbm>>
      tpu.wait_dma2 semaphore(%arg7 : memref<!tpu.dma_semaphore, #tpu.memory_space<semaphore_mem>>) src(%dma_wait3A_259 : memref<248x256xf32, #tpu.memory_space<hbm>>) dst(%dma_wait3A_257 : memref<248x256xf32, #tpu.memory_space<vmem_shared>>)
      %mul3A_260 = arith.constant 2 : i32
      %mul3A_261 = arith.muli %arg1, %mul3A_260 : i32
      %add3A_262 = arith.constant 1 : i32
      %add3A_263 = arith.addi %mul3A_261, %add3A_262 : i32
      %mul3A_264 = arith.constant 248 : i32
      %mul3A_265 = arith.muli %add3A_263, %mul3A_264 : i32
      %add3A_266 = arith.constant 1736 : i32
      %add3A_267 = arith.addi %mul3A_2, %add3A_266 : i32
      %dma_start3A_268 = arith.constant 0 : i32
      %dma_start3A_269 = tpu.memref_slice %arg4[%add3A_267, %dma_start3A_268] : memref<65536x256xf32, #tpu.memory_space<hbm>> -> memref<248x256xf32, #tpu.memory_space<hbm>>
      %dma_start3A_270 = arith.constant 0 : i32
      %dma_start3A_271 = tpu.memref_slice %arg5[%mul3A_265, %dma_start3A_270] : memref<7936x256xf32, #tpu.memory_space<vmem_shared>> -> memref<248x256xf32, #tpu.memory_space<vmem_shared>>
      tpu.enqueue_dma source(%dma_start3A_271 : memref<248x256xf32, #tpu.memory_space<vmem_shared>>) target(%dma_start3A_269 : memref<248x256xf32, #tpu.memory_space<hbm>>) target_semaphore(%arg9 : memref<!tpu.dma_semaphore, #tpu.memory_space<semaphore_mem>>)
      %dma_wait3A_272 = arith.constant 0 : i32
      %dma_wait3A_273 = tpu.memref_slice %arg5[%mul3A_251, %dma_wait3A_272] : memref<7936x256xf32, #tpu.memory_space<vmem_shared>> -> memref<64x256xf32, #tpu.memory_space<vmem_shared>>
      %dma_wait3A_274 = arith.constant 0 : i32
      %dma_wait3A_275 = tpu.memref_slice %arg3[%add3A_245, %dma_wait3A_274] : memref<65536x256xf32, #tpu.memory_space<hbm>> -> memref<64x256xf32, #tpu.memory_space<hbm>>
      tpu.wait_dma2 semaphore(%arg6 : memref<!tpu.dma_semaphore, #tpu.memory_space<semaphore_mem>>) src(%dma_wait3A_275 : memref<64x256xf32, #tpu.memory_space<hbm>>) dst(%dma_wait3A_273 : memref<64x256xf32, #tpu.memory_space<vmem_shared>>)
      %mul3A_276 = arith.constant 2 : i32
      %mul3A_277 = arith.muli %arg1, %mul3A_276 : i32
      %add3A_278 = arith.constant 0 : i32
      %add3A_279 = arith.addi %mul3A_277, %add3A_278 : i32
      %mul3A_280 = arith.constant 248 : i32
      %mul3A_281 = arith.muli %add3A_279, %mul3A_280 : i32
      %add3A_282 = arith.constant 1984 : i32
      %add3A_283 = arith.addi %mul3A_2, %add3A_282 : i32
      %dma_start3A_284 = arith.constant 0 : i32
      %dma_start3A_285 = tpu.memref_slice %arg4[%add3A_283, %dma_start3A_284] : memref<65536x256xf32, #tpu.memory_space<hbm>> -> memref<64x256xf32, #tpu.memory_space<hbm>>
      %dma_start3A_286 = arith.constant 0 : i32
      %dma_start3A_287 = tpu.memref_slice %arg5[%mul3A_281, %dma_start3A_286] : memref<7936x256xf32, #tpu.memory_space<vmem_shared>> -> memref<64x256xf32, #tpu.memory_space<vmem_shared>>
      tpu.enqueue_dma source(%dma_start3A_287 : memref<64x256xf32, #tpu.memory_space<vmem_shared>>) target(%dma_start3A_285 : memref<64x256xf32, #tpu.memory_space<hbm>>) target_semaphore(%arg8 : memref<!tpu.dma_semaphore, #tpu.memory_space<semaphore_mem>>)
      %dma_wait3A_288 = arith.constant 0 : i32
      %dma_wait3A_289 = tpu.memref_slice %arg4[%add3A_267, %dma_wait3A_288] : memref<65536x256xf32, #tpu.memory_space<hbm>> -> memref<248x256xf32, #tpu.memory_space<hbm>>
      %dma_wait3A_290 = arith.constant 0 : i32
      %dma_wait3A_291 = tpu.memref_slice %arg5[%mul3A_265, %dma_wait3A_290] : memref<7936x256xf32, #tpu.memory_space<vmem_shared>> -> memref<248x256xf32, #tpu.memory_space<vmem_shared>>
      tpu.wait_dma2 semaphore(%arg9 : memref<!tpu.dma_semaphore, #tpu.memory_space<semaphore_mem>>) src(%dma_wait3A_291 : memref<248x256xf32, #tpu.memory_space<vmem_shared>>) dst(%dma_wait3A_289 : memref<248x256xf32, #tpu.memory_space<hbm>>)
      %dma_wait3A_292 = arith.constant 0 : i32
      %dma_wait3A_293 = tpu.memref_slice %arg4[%add3A_283, %dma_wait3A_292] : memref<65536x256xf32, #tpu.memory_space<hbm>> -> memref<64x256xf32, #tpu.memory_space<hbm>>
      %dma_wait3A_294 = arith.constant 0 : i32
      %dma_wait3A_295 = tpu.memref_slice %arg5[%mul3A_281, %dma_wait3A_294] : memref<7936x256xf32, #tpu.memory_space<vmem_shared>> -> memref<64x256xf32, #tpu.memory_space<vmem_shared>>
      tpu.wait_dma2 semaphore(%arg8 : memref<!tpu.dma_semaphore, #tpu.memory_space<semaphore_mem>>) src(%dma_wait3A_295 : memref<64x256xf32, #tpu.memory_space<vmem_shared>>) dst(%dma_wait3A_293 : memref<64x256xf32, #tpu.memory_space<hbm>>)
    } else {
    }
    return
  }
}

</mosaic_0001>

<sc_bundles>
// kernel: kernel.3.cloned.1.call-start
scs
__scs_entry_jumppad:
0x0: {  	(pc) =	sbr.rel $0x88, $3  }
0x1: {  	(tag) =	ssettag $0x0;
	lr =	simm.s32 $0x1  }
0x2: {  	[smem:$0x3F9F] =	sst lr;
	_ =	strace $0xD0000000  }
0x3: {  	_ = 	snop  }
0x4: {  	_ = 	snop  }
0x5: {  	_ = 	snop  }
0x6: {  	_ = 	snop  }
0x7: {  	_ = 	snop  }
__scs_overlays_trampoline_lowered:
0x8: {  	[smem:$0x3FAE] =	sst s0  }
0x9: {  	[smem:$0x3FAF] =	sst s1  }
0xa: {  	[smem:$0x3FB0] =	sst s2  }
0xb: {  	[smem:$0x3FB1] =	sst s3  }
0xc: {  	[smem:$0x3FB2] =	sst s4  }
0xd: {  	[smem:$0x3FB3] =	sst s5  }
0xe: {  	[smem:$0x3FB4] =	sst s6  }
0xf: {  	[smem:$0x3FB5] =	sst s7  }
0x10: {  	[smem:$0x3FB6] =	sst s8  }
0x11: {  	[smem:$0x3FB7] =	sst s9;
	s0 =	simm.s32 @!p0 $0x0  }
0x12: {  	s1 =	sld [smem:$0x3F9D];
	s0 =	simm.s32 @p0 $0x1  }
0x13: {  	[smem:$0x3FB8] =	sst s0;
	s0 =	simm.s32 @!p1 $0x0  }
0x14: {  	s2 =	sld [smem:$0x3F9C];
	s0 =	simm.s32 @p1 $0x1  }
0x15: {  	[smem:$0x3FB9] =	sst s0;
	s0 =	simm.s32 @!p2 $0x0  }
0x16: {  	s3 =	sld [smem:$0x3FDB];
	s0 =	simm.s32 @p2 $0x1  }
0x17: {  	s4 =	simm.s32 $0x1BF5;
	[smem:$0x3FBB] =	sst s0  }
0x18: {  	s0 =	sld [smem:$0x3F9E];
	_ =	swait.ge [sflag:s4], $0x0  }
0x19: {  	s7 =	sld [smem:$0x3F9F]  }
0x1a: {  	s8 =	sadd.s32 $0xFFFFE003, lr  }
0x1b: {  	s9 =	sadd.s32 $0xFFFFFEF7, lr;
	s5 =	simm.s32 $0xFFFFFFFF;
	p2 =	slt.u32 s8, $0xFFFFF086  }
0x1c: {  	p1 =	slt.u32 s9, $0xF7A;
	s5 =	simm.s32 @!p2 $0x0  }
0x1d: {  	s5 =	simm.s32 @p1 $0x1;
	p0 =	seq.s32 s7, s2  }
0x1e: {  	s7 =	smul.u32 @!p0 $0xF7A, s2;
	p2 =	seq.s32 @!p0 s5, $0x0  }
0x1f: {  	s9 =	smul.u32 $0xF7A, s1;
	s8 =	simm.s32 @!p0 $0x1BF5;
	p2 =	por !p2, p0  }
0x20: {  	[sflag:s8] =	ssyncset.s32 @!p0 $0xFFFFF086;
	s6 =	sadd.s32 @!p0 s3, s7;
	s7 =	simm.s32 @!p0 $0x108  }
0x21: {  	s3 =	sadd.s32 s3, s9;
	s6 =	sadd.s32 @!p0 $0x88, s6;
	s7 =	simm.s32 @p2 $0x1082  }
0x22: {  	[simem:s7], [sflag:s8] =	dma.local @!p0 [hbm:s6], $0xF7A  }
0x23: {  	s9 =	sor.u32 $0xD0000000, s2;
	s6 =	simm.s32 $0x108;
	_ =	swait.ge @!p0 [sflag:s8], $0x0  }
0x24: {  	s3 =	sadd.s32 $0x88, s3;
	s6 =	simm.s32 @!p1 $0x1082;
	[sflag:s4] =	ssyncset.s32 $0xFFFFF086  }
0x25: {  	[simem:s6], [sflag:s4] =	dma.local [hbm:s3], $0xF7A  }
0x26: {  	[smem:$0x3F9F] =	sst s1;
	(tag) =	ssettag s2;
	_ =	strace s9  }
0x27: {  	s1 =	sld [smem:$0x3FAF]  }
0x28: {  	s2 =	sld [smem:$0x3FB0]  }
0x29: {  	s4 =	sld [smem:$0x3FB2]  }
0x2a: {  	p0 =	seq.s32 s5, $0x0;
	s5 =	sld [smem:$0x3FB3]  }
0x2b: {  	s6 =	sld [smem:$0x3FB4]  }
0x2c: {  	s7 =	sld [smem:$0x3FB5]  }
0x2d: {  	s3 =	simm.s32 $0x108;
	s8 =	sld [smem:$0x3FB6]  }
0x2e: {  	s3 =	simm.s32 @!p0 $0x1082;
	s9 =	sld [smem:$0x3FB7]  }
0x2f: {  	lr =	sadd.s32 s0, s3;
	s0 =	sld [smem:$0x3FAE]  }
0x30: {  	s3 =	sld [smem:$0x3FB1]  }
0x31: {  	[smem:$0x3FBA] =	sst s10  }
0x32: {  	s10 =	sld [smem:$0x3FB8];
	_ =	sdelay $0x3  }
0x33: {  	p0 =	seq.s32 s10, $0x1;
	s10 =	sld [smem:$0x3FBA];
	_ =	sdelay $0x3  }
0x34: {  	[smem:$0x3FBA] =	sst s10  }
0x35: {  	s10 =	sld [smem:$0x3FB9];
	_ =	sdelay $0x3  }
0x36: {  	p1 =	seq.s32 s10, $0x1;
	s10 =	sld [smem:$0x3FBA];
	_ =	sdelay $0x3  }
0x37: {  	[smem:$0x3FBA] =	sst s10  }
0x38: {  	s10 =	sld [smem:$0x3FBB]  }
0x39: {  	_ = 	snop;
	(pc) =	sbr.ind lr, $3  }
0x3a: {  	_ = 	snop  }
0x3b: {  	_ = 	snop  }
0x3c: {  	p2 =	seq.s32 s10, $0x1;
	s10 =	sld [smem:$0x3FBA]  }
0x3d: {  	_ =	shalt  }
0x3e: {  	_ =	shalt  }
0x3f: {  	_ =	shalt  }
0x40: {  	_ =	shalt  }
0x41: {  	_ =	shalt  }
0x42: {  	_ =	shalt  }
0x43: {  	_ =	shalt  }
0x44: {  	_ =	shalt  }
0x45: {  	_ =	shalt  }
0x46: {  	_ =	shalt  }
0x47: {  	_ =	shalt  }
0x48: {  	_ =	shalt  }
0x49: {  	_ =	shalt  }
0x4a: {  	_ =	shalt  }
0x4b: {  	_ =	shalt  }
0x4c: {  	_ =	shalt  }
0x4d: {  	_ =	shalt  }
0x4e: {  	_ =	shalt  }
0x4f: {  	_ =	shalt  }
0x50: {  	_ =	shalt  }
0x51: {  	_ =	shalt  }
0x52: {  	_ =	shalt  }
0x53: {  	_ =	shalt  }
0x54: {  	_ =	shalt  }
0x55: {  	_ =	shalt  }
0x56: {  	_ =	shalt  }
0x57: {  	_ =	shalt  }
0x58: {  	_ =	shalt  }
0x59: {  	_ =	shalt  }
0x5a: {  	_ =	shalt  }
0x5b: {  	_ =	shalt  }
0x5c: {  	_ =	shalt  }
0x5d: {  	_ =	shalt  }
0x5e: {  	_ =	shalt  }
0x5f: {  	_ =	shalt  }
0x60: {  	_ =	shalt  }
0x61: {  	_ =	shalt  }
0x62: {  	_ =	shalt  }
0x63: {  	_ =	shalt  }
0x64: {  	_ =	shalt  }
0x65: {  	_ =	shalt  }
0x66: {  	_ =	shalt  }
0x67: {  	_ =	shalt  }
0x68: {  	_ =	shalt  }
0x69: {  	_ =	shalt  }
0x6a: {  	_ =	shalt  }
0x6b: {  	_ =	shalt  }
0x6c: {  	_ =	shalt  }
0x6d: {  	_ =	shalt  }
0x6e: {  	_ =	shalt  }
0x6f: {  	_ =	shalt  }
0x70: {  	_ =	shalt  }
0x71: {  	_ =	shalt  }
0x72: {  	_ =	shalt  }
0x73: {  	_ =	shalt  }
0x74: {  	_ =	shalt  }
0x75: {  	_ =	shalt  }
0x76: {  	_ =	shalt  }
0x77: {  	_ =	shalt  }
0x78: {  	_ =	shalt  }
0x79: {  	_ =	shalt  }
0x7a: {  	_ =	shalt  }
0x7b: {  	_ =	shalt  }
0x7c: {  	_ =	shalt  }
0x7d: {  	_ =	shalt  }
0x7e: {  	_ =	shalt  }
0x7f: {  	_ =	shalt  }
0x80: {  	_ =	shalt  }
0x81: {  	_ =	shalt  }
0x82: {  	_ =	shalt  }
0x83: {  	_ =	shalt  }
0x84: {  	_ =	shalt  }
0x85: {  	_ =	shalt  }
0x86: {  	_ =	shalt  }
0x87: {  	_ =	shalt  }
.Lfunc_end0:
.L_simem_size_0:
called_computation_lowered:
.L_overlay_start_0:
0x88: {  	s2 =	sld [smem:$0x3FD9]  }
0x89: {  	s3 =	sld [smem:$0x3FFE];
	_ =	sdelay $0x1  }
0x8a: {  	s1 =	srdreg.scid  }
0x8b: {  	s0 =	sand.u32 $0x1, s1  }
0x8c: {  	s18 =	sshll.u32 s0, $0xA;
	s2 =	sadd.s32 s3, s2  }
0x8d: {  	s2 =	sadd.s32 s2, s18  }
0x8e: {  	[smem:$0x3FC6] =	sst s2  }
0x8f: {  	_ = 	snop  }
0x90: {  	s2 =	sld [smem:$0x3FC9]  }
0x91: {  	s19 =	sld [smem:$0x3FC8]  }
0x92: {  	s4 =	sld [smem:$0x3FD0];
	(tm) =	ssettm $0x1  }
0x93: {  	s5 =	sld [smem:$0x3FFB];
	_ =	sdelay $0x3  }
0x94: {  	_ =	strace s5  }
0x95: {  	s5 =	sld [smem:$0x3FFC];
	_ =	sdelay $0x3  }
0x96: {  	_ =	strace s5  }
0x97: {  	s5 =	sld [smem:$0x3FFD];
	_ =	sdelay $0x3  }
0x98: {  	_ =	strace s5  }
0x99: {  	_ =	strace $0x8FFFFFFF  }
0x9a: {  	s20 =	sld [smem:$0x3FDB];
	_ =	sdelay $0x1  }
0x9b: {  	s6 =	simm.s32 $_scs_section_size  }
0x9c: {  	s7 =	simm.s32 $_size__tile_overlayer_lowered;
	s8 =	simm.s32 $_tile_overlayer_lowered  }
0x9d: {  	s23 =	simm.s32 $0x1BFF;
	s22 =	sshll.u32 s8, $0x1;
	s5 =	sadd.s32 s6, s20  }
0x9e: {  	s9 =	simm.s32 $0x0;
	s21 =	sshll.u32 s7, $0x1;
	s7 =	sadd.s32 s22, s5  }
0x9f: {  	[timem:s9], [sflag:s23] =	dma.local [hbm:s7], s21  }
0xa0: {  	_ =	swait.ge [sflag:s23], s21  }
0xa1: {  	s6 =	ssub.s32 $0x0, s21;
	[sflag:s23] =	ssyncset.done $0x0  }
0xa2: {  	[sflag:s23] =	ssyncadd.s32 s6;
	_ =	sdelay $0x1  }
0xa3: {  	s24 =	simm.s32 $0x1B8B  }
0xa4: {  	_ =	swait.ge [sflag:s24], $0x1  }
0xa5: {  	[sflag:s24] =	ssyncset.done $0x0  }
0xa6: {  	s25 =	simm.s32 $0x1B8E;
	[sflag:s24] =	ssyncadd.s32 $0xFFFFFFFF  }
0xa7: {  	s26 =	simm.s32 $execute0_lowered;
	[smem:$0x3FD2] =	sst s25  }
0xa8: {  	s6 =	sshll.u32 s26, $0x1;
	_ =	strace $0x80000046;
	[dreg:$0x1] =	wrdreg $0xFFFFFFFF  }
0xa9: {  	s28 =	simm.s32 $_size_execute0_lowered;
	s5 =	sadd.s32 s5, s6;
	[dreg:$0x0] =	wrdreg $0x0  }
0xaa: {  	s6 =	sshll.u32 s28, $0x1;
	[dreg:$0x2] =	wrdreg s5  }
0xab: {  	[dreg:$0x3] =	wrdreg s6  }
0xac: {  	[dreg:$0x4] =	wrdreg $0xC0  }
0xad: {  	_ =	task [dreg:s9], $0x5FFFF  }
0xae: {  	[dreg:$0x1] =	wrdreg $0xFFFFFFFF  }
0xaf: {  	[dreg:$0x0] =	wrdreg $0x60  }
0xb0: {  	[dreg:$0x2] =	wrdreg s2  }
0xb1: {  	[dreg:$0x3] =	wrdreg s19  }
0xb2: {  	[dreg:$0x4] =	wrdreg s4  }
0xb3: {  	[dreg:$0x5] =	wrdreg $0x0  }
0xb4: {  	[dreg:$0x6] =	wrdreg $0x9  }
0xb5: {  	_ =	task.clear_ibuf [dreg:s9], $0x7FFFF;
	_ =	strace $0x90000046  }
0xb6: {  	s29 =	simm.s32 $0x9;
	_ =	strace $0x80000048  }
0xb7: {  	_ =	swait.ge [sflag:s29], $0x1  }
0xb8: {  	[sflag:s29] =	ssyncadd.s32 $0xFFFFFFFF  }
0xb9: {  	_ =	strace $0x90000048  }
0xba: {  	_ =	sfence  }
0xbb: {  	s30 =	sld [smem:$0x0];
	_ =	sdelay $0x2  }
0xbc: {  	s31 =	sshll.u32 s1, $0xD;
	s1 =	sshrl.u32 s1, $0x2  }
0xbd: {  	s3 =	sand.u32 $0x4000, s31;
	s1 =	sadd.s32 s1, s30  }
0xbe: {  	s0 =	sor.u32 s3, s0;
	s1 =	sshll.u32 s1, $0x11  }
0xbf: {  	s0 =	sor.u32 s1, s0  }
0xc0: {  	s0 =	sadd.s32 $0x8F2B, s0  }
0xc1: {  	[sflag:s0] =	ssyncadd.remote.s32 $0x1  }
0xc2: {  	_ =	sfence.sel $0xFFFF  }
0xc3: {  	[dreg:$0x0] =	wrdreg $0xFFFFFFFF;
	(pc) =	sbr.abs _section_cstart, $3  }
0xc4: {  	[dreg:$0x1] =	wrdreg $0xFFFFFFFF  }
0xc5: {  	_ =	task.clear_ibuf [dreg:s9], $0x2FFFF;
	_ =	strace $0x9FFFFFFF  }
0xc6: {  	(tm) =	ssettm $0x7FFFFFFF  }
0xc7: {  	_ =	shalt  }
tec
execute0_lowered:
.L_overlay_start_1:
0x0: {  	(tag) =	ssettag $0x1  }
0x1: {  	s1 =	rddreg [dreg:$0x0]  }
0x2: {  	s3 =	rddreg [dreg:$0x1]  }
0x3: {  	s4 =	srdreg.scid;
	s2 =	rddreg [dreg:$0x2]  }
0x4: {  	s0 =	stileid.u32;
	s8 =	rddreg [dreg:$0x3]  }
0x5: {  	s15 =	rddreg [dreg:$0x4];
	s22 =	simm.s32 $0x0;
	p1 =	por $0x0, $0x0  }
0x6: {  	s6 =	sand.u32 $0x1, s4;
	s21 =	sshll.u32 s0, $0x1;
	[smem:$0x7FF] =	sst s22  }
0x7: {  	s12 =	smul.u32 $0x7C000, s0;
	p0 =	sne.s32 s0, $0x0;
	s7 =	sor.u32 s6, s21  }
0x8: {  	_ =	strace $0x80000047;
	s9 =	ssub.s32 $0x2, s6;
	s6 =	sshll.u32 s6, $0x10  }
0x9: {  	s5 =	sshll.u32 s7, $0x13;
	s10 =	sshrl.u32 s9, $0x1;
	s25 =	sshrl.u32 s12, $0x2  }
0xa: {  	s7 =	sshll.u32 s7, $0x10;
	s13 =	sadd.s32 s1, s6;
	s14 =	sor.u32 $0x1F00, s6  }
0xb: {  	s17 =	sadd.s32 s2, s6;
	s21 =	sor.u32 $0x5D00, s6;
	s23 =	sadd.s32 $0xFFF00000, s5  }
0xc: {  	s24 =	sadd.s32 $0xFFF0F800, s5;
	s26 =	sadd.s32 $0xFFF1F000, s5;
	s7 =	sadd.s32 s2, s7  }
0xd: {  	s31 =	sadd.s32 $0xFFF2E800, s5;
	s20 =	sadd.s32 s25, s8;
	s12 =	sadd.s32 $0xFFF3E000, s5  }
0xe: {  	[dreg:$0x9] =	wrdreg s13;
	s16 =	sadd.s32 s1, s14;
	s13 =	sor.u32 $0x3E00, s6  }
0xf: {  	[dreg:$0xb] =	wrdreg s17;
	s19 =	sadd.s32 s2, s14;
	s22 =	sadd.s32 $0xFFF4D800, s5  }
0x10: {  	s25 =	sor.u32 $0x9B00, s6;
	s14 =	sshll.u32 @p0 s0, $0x6;
	s4 =	sshrl.u32 s23, $0x3  }
0x11: {  	s29 =	sadd.s32 $0x1F00, s7;
	[dreg:$0xa] =	wrdreg s16;
	s18 =	sadd.s32 s1, s13  }
0x12: {  	[dreg:$0xd] =	wrdreg s19;
	s13 =	sadd.s32 s2, s13;
	s23 =	sor.u32 $0x7C00, s6  }
0x13: {  	s30 =	sadd.s32 $0xF800, s20;
	s11 =	sadd.s32 s3, s4;
	s4 =	ssub.s32 s9, s10  }
0x14: {  	s9 =	sshrl.u32 s24, $0x3;
	[dreg:$0x8] =	wrdreg s29;
	s10 =	sshrl.u32 s12, $0x3  }
0x15: {  	[dreg:$0xc] =	wrdreg s18;
	s12 =	sadd.s32 s2, s21;
	s24 =	sadd.s32 $0xFFF5D000, s5  }
0x16: {  	s29 =	sor.u32 $0xD900, s6;
	[dreg:$0x5] =	wrdreg s11;
	s9 =	sadd.s32 s3, s9  }
0x17: {  	s11 =	sshrl.u32 s26, $0x3;
	s10 =	sadd.s32 s3, s10;
	s26 =	sor.u32 $0xBA00, s6  }
0x18: {  	s6 =	sor.u32 $0xF800, s6;
	[dreg:$0x6] =	wrdreg s9;
	s28 =	sadd.s32 s3, s11  }
0x19: {  	s11 =	sshrl.u32 s31, $0x3;
	s9 =	sadd.s32 $0x3E00, s7;
	s31 =	smax.u32 s4, $0x1  }
0x1a: {  	s4 =	simm.s32 $0x4;
	[dreg:$0x7] =	wrdreg s28;
	s8 =	sadd.s32 s3, s11  }
0x1b: {  	s11 =	sadd.s32 s1, s21;
	s13 =	smov.u32 @p0 s9;
	s9 =	sadd.s32 s1, s23  }
0x1c: {  	s28 =	sadd.s32 $0xFFF6C800, s5;
	s5 =	sadd.s32 $0xFFF7C000, s5;
	s11 =	smov.u32 @p0 s8  }
0x1d: {  	s8 =	sshrl.u32 s22, $0x3;
	[dreg:$0xf] =	wrdreg s13;
	s13 =	sadd.s32 $0x5D00, s7  }
0x1e: {  	s9 =	smov.u32 @p0 s10;
	s10 =	sadd.s32 $0x7C00, s7;
	s22 =	rddreg [dreg:$0x5]  }
0x1f: {  	s5 =	sshrl.u32 s5, $0x3;
	[dreg:$0xe] =	wrdreg s11;
	s8 =	sadd.s32 s3, s8  }
0x20: {  	[dreg:$0x10] =	wrdreg s9;
	s12 =	smov.u32 @p0 s13;
	s9 =	sshrl.u32 s24, $0x3  }
0x21: {  	s11 =	sadd.s32 s2, s23;
	s13 =	sshrl.u32 @p0 s20, $0x3;
	[dreg:$0x11] =	wrdreg s12  }
0x22: {  	s12 =	sadd.s32 s1, s25;
	s9 =	sadd.s32 s3, s9;
	s11 =	smov.u32 @p0 s10  }
0x23: {  	s10 =	sshrl.u32 s28, $0x3;
	s12 =	smov.u32 @p0 s8;
	[dreg:$0x13] =	wrdreg s11  }
0x24: {  	s10 =	sadd.s32 s3, s10;
	s11 =	sadd.s32 $0xBA00, s7;
	s3 =	sadd.s32 s3, s5  }
0x25: {  	s5 =	sadd.s32 s1, s29;
	s8 =	sadd.s32 s2, s26;
	[dreg:$0x12] =	wrdreg s12  }
0x26: {  	s12 =	sadd.s32 s1, s26;
	s5 =	smov.u32 @p0 s10;
	s10 =	sadd.s32 $0xF800, s7  }
0x27: {  	s1 =	sadd.s32 s1, s6;
	s8 =	smov.u32 @p0 s11;
	s11 =	sadd.s32 $0xFFFFFFFF, s31  }
0x28: {  	s12 =	smov.u32 @p0 s9;
	s9 =	sadd.s32 $0x9B00, s7;
	[dreg:$0x16] =	wrdreg s5  }
0x29: {  	[dreg:$0x17] =	wrdreg s8;
	s1 =	smov.u32 @p0 s3;
	s5 =	simm.s32 $0x1  }
0x2a: {  	s3 =	simm.s32 $0x3;
	p2 =	sne.s32 s11, $0x0;
	[dreg:$0x14] =	wrdreg s12  }
.Ltmp0:
0x2b: {  	s12 =	sadd.s32 s2, s25;
	[dreg:$0x18] =	wrdreg s1;
	(pc) =	sbr.rel @!p2 .LBB2_5-.Ltmp0, $4  }
0x2c: {  	s12 =	smov.u32 @p0 s9;
	s9 =	sadd.s32 s2, s29;
	s2 =	sadd.s32 s2, s6  }
0x2d: {  	s6 =	simm.s32 $0x2;
	[dreg:$0x15] =	wrdreg s12;
	s12 =	sadd.s32 $0xD900, s7  }
0x2e: {  	s2 =	smov.u32 @p0 s10;
	s10 =	sshrl.u32 @!p0 s20, $0x3;
	s9 =	smov.u32 @p0 s12  }
0x2f: {  	s12 =	sshrl.u32 @p0 s30, $0x3;
	[dreg:$0x19] =	wrdreg s9;
	s9 =	sshrl.u32 @!p0 s30, $0x3  }
0x30: {  	s8 =	sor.u32 @p0 $0x1C01, s14  }
0x31: {  	[spmem:s13], [sflag:s8] =	dma.local @p0 [hbm:s22], $0x1F00  }
0x32: {  	s15 =	sor.u32 @p0 $0x1C02, s14;
	s16 =	simm.s32 @p0 $0x1;
	s0 =	rddreg [dreg:$0x6]  }
0x33: {  	[spmem:s12], [sflag:s15] =	dma.local @p0 [hbm:s0], $0x1F00  }
0x34: {  	_ =	swait.ge @p0 [sflag:s16], $0x1F00  }
0x35: {  	[sflag:s16] =	ssyncset.done @p0 $0x0  }
0x36: {  	s17 =	sor.u32 @p0 $0x1C03, s14;
	s18 =	simm.s32 @p0 $0x3;
	[sflag:s16] =	ssyncadd.s32 @p0 $0xFFFFE100  }
0x37: {  	[hbm:s7], [sflag:s17] =	dma.local @p0 [spmem:s13], $0x1F00  }
0x38: {  	_ =	swait.ge @p0 [sflag:s18], $0x1F00  }
0x39: {  	[sflag:s18] =	ssyncset.done @p0 $0x0  }
0x3a: {  	s19 =	simm.s32 @p0 $0x2;
	s0 =	rddreg [dreg:$0x7];
	[sflag:s18] =	ssyncadd.s32 @p0 $0xFFFFE100  }
0x3b: {  	[spmem:s13], [sflag:s8] =	dma.local @p0 [hbm:s0], $0x1F00  }
0x3c: {  	_ =	swait.ge @p0 [sflag:s19], $0x1F00  }
0x3d: {  	[dreg:$0x1c] =	wrdreg s14;
	[sflag:s19] =	ssyncset.done @p0 $0x0  }
0x3e: {  	s1 =	sor.u32 @p0 $0x1C04, s14;
	s0 =	rddreg [dreg:$0x8];
	[sflag:s19] =	ssyncadd.s32 @p0 $0xFFFFE100  }
0x3f: {  	[hbm:s0], [sflag:s1] =	dma.local @p0 [spmem:s12], $0x1F00  }
0x40: {  	s21 =	simm.s32 @!p0 $0x1C01;
	s0 =	rddreg [dreg:$0x9]  }
0x41: {  	[spmem:s10], [sflag:s21] =	dma.local @!p0 [hbm:s0], $0x1F00  }
0x42: {  	s23 =	simm.s32 @!p0 $0x1;
	s14 =	simm.s32 @!p0 $0x1C02;
	s0 =	rddreg [dreg:$0xa]  }
0x43: {  	[spmem:s9], [sflag:s14] =	dma.local @!p0 [hbm:s0], $0x1F00  }
0x44: {  	_ =	swait.ge @!p0 [sflag:s23], $0x1F00  }
0x45: {  	s25 =	simm.s32 @!p0 $0x3;
	[sflag:s23] =	ssyncset.done @!p0 $0x0  }
0x46: {  	s14 =	simm.s32 @!p0 $0x1C03;
	s0 =	rddreg [dreg:$0xb];
	[sflag:s23] =	ssyncadd.s32 @!p0 $0xFFFFE100  }
0x47: {  	[hbm:s0], [sflag:s14] =	dma.local @!p0 [spmem:s10], $0x1F00  }
0x48: {  	_ =	swait.ge @!p0 [sflag:s25], $0x1F00  }
0x49: {  	[sflag:s25] =	ssyncset.done @!p0 $0x0  }
0x4a: {  	s26 =	simm.s32 @!p0 $0x2;
	s0 =	rddreg [dreg:$0xc];
	[sflag:s25] =	ssyncadd.s32 @!p0 $0xFFFFE100  }
0x4b: {  	[spmem:s10], [sflag:s21] =	dma.local @!p0 [hbm:s0], $0x1F00  }
0x4c: {  	_ =	swait.ge @!p0 [sflag:s26], $0x1F00  }
0x4d: {  	[sflag:s26] =	ssyncset.done @!p0 $0x0  }
0x4e: {  	s28 =	simm.s32 @!p0 $0x1C04;
	s0 =	rddreg [dreg:$0xd];
	[sflag:s26] =	ssyncadd.s32 @!p0 $0xFFFFE100  }
0x4f: {  	[hbm:s0], [sflag:s28] =	dma.local @!p0 [spmem:s9], $0x1F00  }
0x50: {  	s29 =	smov.u32 s15;
	_ =	swait.ge [sflag:s4], $0x1F00  }
0x51: {  	s29 =	simm.s32 @!p0 $0x1C02;
	[dreg:$0x1b] =	wrdreg s30;
	[sflag:s4] =	ssyncset.done $0x0  }
0x52: {  	s30 =	sshrl.u32 s30, $0x3;
	s22 =	rddreg [dreg:$0xe];
	[sflag:s4] =	ssyncadd.s32 $0xFFFFE100  }
0x53: {  	[spmem:s30], [sflag:s29] =	dma.local [hbm:s22], $0x1F00  }
0x54: {  	s31 =	smov.u32 s17;
	_ =	swait.ge [sflag:s5], $0x1F00  }
0x55: {  	s31 =	simm.s32 @!p0 $0x1C03;
	[dreg:$0x1a] =	wrdreg s20;
	[sflag:s5] =	ssyncset.done $0x0  }
0x56: {  	s0 =	sshrl.u32 s20, $0x3;
	s24 =	rddreg [dreg:$0xf];
	[sflag:s5] =	ssyncadd.s32 $0xFFFFE100  }
0x57: {  	[hbm:s24], [sflag:s31] =	dma.local [spmem:s0], $0x1F00  }
0x58: {  	_ =	swait.ge [sflag:s3], $0x1F00  }
0x59: {  	s14 =	smov.u32 s8;
	[sflag:s3] =	ssyncset.done $0x0  }
0x5a: {  	s14 =	simm.s32 @!p0 $0x1C01;
	s22 =	rddreg [dreg:$0x10];
	[sflag:s3] =	ssyncadd.s32 $0xFFFFE100  }
0x5b: {  	[spmem:s0], [sflag:s14] =	dma.local [hbm:s22], $0x1F00  }
0x5c: {  	_ =	swait.ge [sflag:s6], $0x1F00  }
0x5d: {  	s20 =	smov.u32 s1;
	[sflag:s6] =	ssyncset.done $0x0  }
0x5e: {  	s20 =	simm.s32 @!p0 $0x1C04;
	s24 =	rddreg [dreg:$0x11];
	[sflag:s6] =	ssyncadd.s32 $0xFFFFE100  }
0x5f: {  	[hbm:s24], [sflag:s20] =	dma.local [spmem:s30], $0x1F00  }
0x60: {  	_ =	swait.ge [sflag:s4], $0x1F00  }
0x61: {  	[sflag:s4] =	ssyncset.done $0x0  }
0x62: {  	s24 =	rddreg [dreg:$0x12];
	[sflag:s4] =	ssyncadd.s32 $0xFFFFE100  }
0x63: {  	[spmem:s30], [sflag:s29] =	dma.local [hbm:s24], $0x1F00  }
0x64: {  	_ =	swait.ge [sflag:s5], $0x1F00  }
0x65: {  	[sflag:s5] =	ssyncset.done $0x0  }
0x66: {  	s24 =	rddreg [dreg:$0x13];
	[sflag:s5] =	ssyncadd.s32 $0xFFFFE100  }
0x67: {  	[hbm:s24], [sflag:s31] =	dma.local [spmem:s0], $0x1F00  }
0x68: {  	_ =	swait.ge [sflag:s3], $0x1F00  }
0x69: {  	[sflag:s3] =	ssyncset.done $0x0  }
0x6a: {  	s24 =	rddreg [dreg:$0x14];
	[sflag:s3] =	ssyncadd.s32 $0xFFFFE100  }
0x6b: {  	[spmem:s0], [sflag:s14] =	dma.local [hbm:s24], $0x1F00  }
0x6c: {  	_ =	swait.ge [sflag:s6], $0x1F00  }
0x6d: {  	[sflag:s6] =	ssyncset.done $0x0  }
0x6e: {  	s24 =	rddreg [dreg:$0x15];
	[sflag:s6] =	ssyncadd.s32 $0xFFFFE100  }
0x6f: {  	[hbm:s24], [sflag:s20] =	dma.local [spmem:s30], $0x1F00  }
0x70: {  	_ =	swait.ge [sflag:s4], $0x1F00  }
0x71: {  	[sflag:s4] =	ssyncset.done $0x0  }
0x72: {  	s24 =	rddreg [dreg:$0x16];
	[sflag:s4] =	ssyncadd.s32 $0xFFFFE100  }
0x73: {  	[spmem:s30], [sflag:s29] =	dma.local [hbm:s24], $0x1F00  }
0x74: {  	_ =	swait.ge [sflag:s5], $0x1F00  }
0x75: {  	[sflag:s5] =	ssyncset.done $0x0  }
0x76: {  	s24 =	rddreg [dreg:$0x17];
	[sflag:s5] =	ssyncadd.s32 $0xFFFFE100  }
0x77: {  	[hbm:s24], [sflag:s31] =	dma.local [spmem:s0], $0x1F00  }
0x78: {  	_ =	swait.ge [sflag:s3], $0x1F00  }
0x79: {  	[sflag:s3] =	ssyncset.done $0x0  }
0x7a: {  	s24 =	rddreg [dreg:$0x18];
	[sflag:s3] =	ssyncadd.s32 $0xFFFFE100  }
0x7b: {  	[spmem:s0], [sflag:s14] =	dma.local [hbm:s24], $0x800  }
0x7c: {  	_ =	swait.ge [sflag:s6], $0x1F00  }
0x7d: {  	[sflag:s6] =	ssyncset.done $0x0  }
0x7e: {  	s24 =	rddreg [dreg:$0x19];
	[sflag:s6] =	ssyncadd.s32 $0xFFFFE100  }
0x7f: {  	[hbm:s24], [sflag:s20] =	dma.local [spmem:s30], $0x1F00  }
0x80: {  	_ =	swait.ge [sflag:s5], $0x800  }
0x81: {  	s11 =	sadd.s32 $0xFFFFFFFF, s11;
	[sflag:s5] =	ssyncset.done $0x0  }
0x82: {  	p2 =	sne.s32 s11, $0x0;
	[sflag:s5] =	ssyncadd.s32 $0xFFFFF800  }
0x83: {  	[hbm:s2], [sflag:s31] =	dma.local [spmem:s0], $0x800  }
.Ltmp1:
0x84: {  	_ =	swait.ge [sflag:s4], $0x1F00;
	(pc) =	sbr.rel @!p2 .LBB2_2-.Ltmp1, $4  }
0x85: {  	[sflag:s4] =	ssyncset.done $0x0  }
0x86: {  	[sflag:s4] =	ssyncadd.s32 $0xFFFFE100  }
0x87: {  	_ =	swait.ge [sflag:s3], $0x800  }
0x88: {  	p1 =	por $0x1, $0x1;
	s22 =	rddreg [dreg:$0x5];
	[sflag:s3] =	ssyncset.done $0x0  }
.LBB2_3:
0x89: {  	[sflag:s3] =	ssyncadd.s32 $0xFFFFF800  }
0x8a: {  	[spmem:s13], [sflag:s8] =	dma.local @p0 [hbm:s22], $0x1F00  }
0x8b: {  	s22 =	rddreg [dreg:$0x6]  }
0x8c: {  	[spmem:s12], [sflag:s15] =	dma.local @p0 [hbm:s22], $0x1F00  }
0x8d: {  	_ =	swait.ge @p0 [sflag:s16], $0x1F00  }
0x8e: {  	[sflag:s16] =	ssyncset.done @p0 $0x0  }
0x8f: {  	[sflag:s16] =	ssyncadd.s32 @p0 $0xFFFFE100  }
0x90: {  	[hbm:s7], [sflag:s17] =	dma.local @p0 [spmem:s13], $0x1F00  }
0x91: {  	_ =	swait.ge @p0 [sflag:s18], $0x1F00  }
0x92: {  	[sflag:s18] =	ssyncset.done @p0 $0x0  }
0x93: {  	s22 =	rddreg [dreg:$0x7];
	[sflag:s18] =	ssyncadd.s32 @p0 $0xFFFFE100  }
0x94: {  	[spmem:s13], [sflag:s8] =	dma.local @p0 [hbm:s22], $0x1F00  }
0x95: {  	_ =	swait.ge @p0 [sflag:s19], $0x1F00  }
0x96: {  	[sflag:s19] =	ssyncset.done @p0 $0x0  }
0x97: {  	s22 =	rddreg [dreg:$0x8];
	[sflag:s19] =	ssyncadd.s32 @p0 $0xFFFFE100  }
0x98: {  	[hbm:s22], [sflag:s1] =	dma.local @p0 [spmem:s12], $0x1F00  }
0x99: {  	s22 =	rddreg [dreg:$0x9]  }
0x9a: {  	[spmem:s10], [sflag:s21] =	dma.local @!p0 [hbm:s22], $0x1F00  }
0x9b: {  	s24 =	simm.s32 @!p0 $0x1C02;
	s22 =	rddreg [dreg:$0xa]  }
0x9c: {  	[spmem:s9], [sflag:s24] =	dma.local @!p0 [hbm:s22], $0x1F00  }
0x9d: {  	_ =	swait.ge @!p0 [sflag:s23], $0x1F00  }
0x9e: {  	[sflag:s23] =	ssyncset.done @!p0 $0x0  }
0x9f: {  	s24 =	simm.s32 @!p0 $0x1C03;
	s22 =	rddreg [dreg:$0xb];
	[sflag:s23] =	ssyncadd.s32 @!p0 $0xFFFFE100  }
0xa0: {  	[hbm:s22], [sflag:s24] =	dma.local @!p0 [spmem:s10], $0x1F00  }
0xa1: {  	_ =	swait.ge @!p0 [sflag:s25], $0x1F00  }
0xa2: {  	[sflag:s25] =	ssyncset.done @!p0 $0x0  }
0xa3: {  	s22 =	rddreg [dreg:$0xc];
	[sflag:s25] =	ssyncadd.s32 @!p0 $0xFFFFE100  }
0xa4: {  	[spmem:s10], [sflag:s21] =	dma.local @!p0 [hbm:s22], $0x1F00  }
0xa5: {  	_ =	swait.ge @!p0 [sflag:s26], $0x1F00  }
0xa6: {  	[sflag:s26] =	ssyncset.done @!p0 $0x0  }
0xa7: {  	s22 =	rddreg [dreg:$0xd];
	[sflag:s26] =	ssyncadd.s32 @!p0 $0xFFFFE100  }
0xa8: {  	[hbm:s22], [sflag:s28] =	dma.local @!p0 [spmem:s9], $0x1F00  }
0xa9: {  	_ =	swait.ge [sflag:s4], $0x1F00  }
0xaa: {  	[sflag:s4] =	ssyncset.done $0x0  }
0xab: {  	s24 =	rddreg [dreg:$0xe];
	[sflag:s4] =	ssyncadd.s32 $0xFFFFE100  }
0xac: {  	[spmem:s30], [sflag:s29] =	dma.local [hbm:s24], $0x1F00  }
0xad: {  	_ =	swait.ge [sflag:s5], $0x1F00  }
0xae: {  	[sflag:s5] =	ssyncset.done $0x0  }
0xaf: {  	s24 =	rddreg [dreg:$0xf];
	[sflag:s5] =	ssyncadd.s32 $0xFFFFE100  }
0xb0: {  	[hbm:s24], [sflag:s31] =	dma.local [spmem:s0], $0x1F00  }
0xb1: {  	_ =	swait.ge [sflag:s3], $0x1F00  }
0xb2: {  	[sflag:s3] =	ssyncset.done $0x0  }
0xb3: {  	s24 =	rddreg [dreg:$0x10];
	[sflag:s3] =	ssyncadd.s32 $0xFFFFE100  }
0xb4: {  	[spmem:s0], [sflag:s14] =	dma.local [hbm:s24], $0x1F00  }
0xb5: {  	_ =	swait.ge [sflag:s6], $0x1F00  }
0xb6: {  	[sflag:s6] =	ssyncset.done $0x0  }
0xb7: {  	s24 =	rddreg [dreg:$0x11];
	[sflag:s6] =	ssyncadd.s32 $0xFFFFE100  }
0xb8: {  	[hbm:s24], [sflag:s20] =	dma.local [spmem:s30], $0x1F00  }
0xb9: {  	_ =	swait.ge [sflag:s4], $0x1F00  }
0xba: {  	[sflag:s4] =	ssyncset.done $0x0  }
0xbb: {  	s24 =	rddreg [dreg:$0x12];
	[sflag:s4] =	ssyncadd.s32 $0xFFFFE100  }
0xbc: {  	[spmem:s30], [sflag:s29] =	dma.local [hbm:s24], $0x1F00  }
0xbd: {  	_ =	swait.ge [sflag:s5], $0x1F00  }
0xbe: {  	[sflag:s5] =	ssyncset.done $0x0  }
0xbf: {  	s24 =	rddreg [dreg:$0x13];
	[sflag:s5] =	ssyncadd.s32 $0xFFFFE100  }
0xc0: {  	[hbm:s24], [sflag:s31] =	dma.local [spmem:s0], $0x1F00  }
0xc1: {  	_ =	swait.ge [sflag:s3], $0x1F00  }
0xc2: {  	[sflag:s3] =	ssyncset.done $0x0  }
0xc3: {  	s24 =	rddreg [dreg:$0x14];
	[sflag:s3] =	ssyncadd.s32 $0xFFFFE100  }
0xc4: {  	[spmem:s0], [sflag:s14] =	dma.local [hbm:s24], $0x1F00  }
0xc5: {  	_ =	swait.ge [sflag:s6], $0x1F00  }
0xc6: {  	[sflag:s6] =	ssyncset.done $0x0  }
0xc7: {  	s24 =	rddreg [dreg:$0x15];
	[sflag:s6] =	ssyncadd.s32 $0xFFFFE100  }
0xc8: {  	[hbm:s24], [sflag:s20] =	dma.local [spmem:s30], $0x1F00  }
0xc9: {  	_ =	swait.ge [sflag:s4], $0x1F00  }
0xca: {  	[sflag:s4] =	ssyncset.done $0x0  }
0xcb: {  	s24 =	rddreg [dreg:$0x16];
	[sflag:s4] =	ssyncadd.s32 $0xFFFFE100  }
0xcc: {  	[spmem:s30], [sflag:s29] =	dma.local [hbm:s24], $0x1F00  }
0xcd: {  	_ =	swait.ge [sflag:s5], $0x1F00  }
0xce: {  	[sflag:s5] =	ssyncset.done $0x0  }
0xcf: {  	s24 =	rddreg [dreg:$0x17];
	[sflag:s5] =	ssyncadd.s32 $0xFFFFE100  }
0xd0: {  	[hbm:s24], [sflag:s31] =	dma.local [spmem:s0], $0x1F00  }
0xd1: {  	_ =	swait.ge [sflag:s3], $0x1F00  }
0xd2: {  	[sflag:s3] =	ssyncset.done $0x0  }
0xd3: {  	s24 =	rddreg [dreg:$0x18];
	[sflag:s3] =	ssyncadd.s32 $0xFFFFE100  }
0xd4: {  	[spmem:s0], [sflag:s14] =	dma.local [hbm:s24], $0x800  }
0xd5: {  	_ =	swait.ge [sflag:s6], $0x1F00  }
0xd6: {  	[sflag:s6] =	ssyncset.done $0x0  }
0xd7: {  	s24 =	rddreg [dreg:$0x19];
	[sflag:s6] =	ssyncadd.s32 $0xFFFFE100  }
0xd8: {  	[hbm:s24], [sflag:s20] =	dma.local [spmem:s30], $0x1F00  }
0xd9: {  	_ =	swait.ge [sflag:s5], $0x800  }
0xda: {  	s11 =	sadd.s32 $0xFFFFFFFF, s11;
	[sflag:s5] =	ssyncset.done $0x0  }
0xdb: {  	p2 =	sne.s32 s11, $0x0;
	[sflag:s5] =	ssyncadd.s32 $0xFFFFF800  }
0xdc: {  	[hbm:s2], [sflag:s31] =	dma.local [spmem:s0], $0x800  }
.Ltmp2:
0xdd: {  	_ =	swait.ge [sflag:s4], $0x1F00;
	(pc) =	sbr.rel @p2 .LBB2_3-.Ltmp2, $4  }
0xde: {  	[sflag:s4] =	ssyncset.done $0x0  }
0xdf: {  	[sflag:s4] =	ssyncadd.s32 $0xFFFFE100  }
0xe0: {  	_ =	swait.ge [sflag:s3], $0x800  }
0xe1: {  	s22 =	rddreg [dreg:$0x5];
	[sflag:s3] =	ssyncset.done $0x0  }
0xe2: {  	s15 =	rddreg [dreg:$0x4]  }
0xe3: {  	s20 =	rddreg [dreg:$0x1a]  }
0xe4: {  	s30 =	rddreg [dreg:$0x1b]  }
0xe5: {  	s14 =	rddreg [dreg:$0x1c]  }
.LBB2_5:
0xe6: {  	[sflag:s3] =	ssyncadd.s32 @p1 $0xFFFFF800;
	s1 =	sor.u32 @p0 $0x1C01, s14  }
0xe7: {  	[spmem:s13], [sflag:s1] =	dma.local @p0 [hbm:s22], $0x1F00  }
0xe8: {  	s8 =	sor.u32 @p0 $0x1C02, s14;
	s11 =	simm.s32 @p0 $0x1;
	s0 =	rddreg [dreg:$0x6]  }
0xe9: {  	[spmem:s12], [sflag:s8] =	dma.local @p0 [hbm:s0], $0x1F00  }
0xea: {  	_ =	swait.ge @p0 [sflag:s11], $0x1F00  }
0xeb: {  	[sflag:s11] =	ssyncset.done @p0 $0x0  }
0xec: {  	s0 =	sor.u32 @p0 $0x1C03, s14;
	[sflag:s11] =	ssyncadd.s32 @p0 $0xFFFFE100;
	s11 =	simm.s32 @p0 $0x3  }
0xed: {  	[hbm:s7], [sflag:s0] =	dma.local @p0 [spmem:s13], $0x1F00  }
0xee: {  	_ =	swait.ge @p0 [sflag:s11], $0x1F00  }
0xef: {  	[sflag:s11] =	ssyncset.done @p0 $0x0  }
0xf0: {  	s7 =	rddreg [dreg:$0x7];
	[sflag:s11] =	ssyncadd.s32 @p0 $0xFFFFE100;
	s11 =	simm.s32 @p0 $0x2  }
0xf1: {  	[spmem:s13], [sflag:s1] =	dma.local @p0 [hbm:s7], $0x1F00  }
0xf2: {  	_ =	swait.ge @p0 [sflag:s11], $0x1F00  }
0xf3: {  	[sflag:s11] =	ssyncset.done @p0 $0x0  }
0xf4: {  	s7 =	sor.u32 @p0 $0x1C04, s14;
	s13 =	rddreg [dreg:$0x8];
	[sflag:s11] =	ssyncadd.s32 @p0 $0xFFFFE100  }
0xf5: {  	[hbm:s13], [sflag:s7] =	dma.local @p0 [spmem:s12], $0x1F00  }
0xf6: {  	s12 =	simm.s32 @!p0 $0x1C01;
	s11 =	rddreg [dreg:$0x9]  }
0xf7: {  	[spmem:s10], [sflag:s12] =	dma.local @!p0 [hbm:s11], $0x1F00  }
0xf8: {  	s14 =	simm.s32 @!p0 $0x1;
	s13 =	simm.s32 @!p0 $0x1C02;
	s11 =	rddreg [dreg:$0xa]  }
0xf9: {  	[spmem:s9], [sflag:s13] =	dma.local @!p0 [hbm:s11], $0x1F00  }
0xfa: {  	_ =	swait.ge @!p0 [sflag:s14], $0x1F00  }
0xfb: {  	s13 =	simm.s32 @!p0 $0x1C03;
	[sflag:s14] =	ssyncset.done @!p0 $0x0  }
0xfc: {  	s11 =	rddreg [dreg:$0xb];
	[sflag:s14] =	ssyncadd.s32 @!p0 $0xFFFFE100;
	s14 =	simm.s32 @!p0 $0x3  }
0xfd: {  	[hbm:s11], [sflag:s13] =	dma.local @!p0 [spmem:s10], $0x1F00  }
0xfe: {  	_ =	swait.ge @!p0 [sflag:s14], $0x1F00  }
0xff: {  	[sflag:s14] =	ssyncset.done @!p0 $0x0  }
0x100: {  	s13 =	simm.s32 @!p0 $0x2;
	s11 =	rddreg [dreg:$0xc];
	[sflag:s14] =	ssyncadd.s32 @!p0 $0xFFFFE100  }
0x101: {  	[spmem:s10], [sflag:s12] =	dma.local @!p0 [hbm:s11], $0x1F00  }
0x102: {  	_ =	swait.ge @!p0 [sflag:s13], $0x1F00  }
0x103: {  	[sflag:s13] =	ssyncset.done @!p0 $0x0  }
0x104: {  	s11 =	simm.s32 @!p0 $0x1C04;
	s10 =	rddreg [dreg:$0xd];
	[sflag:s13] =	ssyncadd.s32 @!p0 $0xFFFFE100  }
0x105: {  	[hbm:s10], [sflag:s11] =	dma.local @!p0 [spmem:s9], $0x1F00  }
0x106: {  	_ =	swait.ge [sflag:s4], $0x1F00  }
0x107: {  	s18 =	sshrl.u32 s30, $0x3;
	[sflag:s4] =	ssyncset.done $0x0  }
0x108: {  	s8 =	simm.s32 @!p0 $0x1C02;
	s17 =	rddreg [dreg:$0xe];
	[sflag:s4] =	ssyncadd.s32 $0xFFFFE100  }
0x109: {  	[spmem:s18], [sflag:s8] =	dma.local [hbm:s17], $0x1F00  }
0x10a: {  	_ =	swait.ge [sflag:s5], $0x1F00  }
0x10b: {  	s20 =	sshrl.u32 s20, $0x3;
	[sflag:s5] =	ssyncset.done $0x0  }
0x10c: {  	s0 =	simm.s32 @!p0 $0x1C03;
	s19 =	rddreg [dreg:$0xf];
	[sflag:s5] =	ssyncadd.s32 $0xFFFFE100  }
0x10d: {  	[hbm:s19], [sflag:s0] =	dma.local [spmem:s20], $0x1F00  }
0x10e: {  	_ =	swait.ge [sflag:s3], $0x1F00  }
0x10f: {  	[sflag:s3] =	ssyncset.done $0x0  }
0x110: {  	s1 =	simm.s32 @!p0 $0x1C01;
	s21 =	rddreg [dreg:$0x10];
	[sflag:s3] =	ssyncadd.s32 $0xFFFFE100  }
0x111: {  	[spmem:s20], [sflag:s1] =	dma.local [hbm:s21], $0x1F00  }
0x112: {  	_ =	swait.ge [sflag:s6], $0x1F00  }
0x113: {  	[sflag:s6] =	ssyncset.done $0x0  }
0x114: {  	s7 =	simm.s32 @!p0 $0x1C04;
	s22 =	rddreg [dreg:$0x11];
	[sflag:s6] =	ssyncadd.s32 $0xFFFFE100  }
0x115: {  	[hbm:s22], [sflag:s7] =	dma.local [spmem:s18], $0x1F00  }
0x116: {  	_ =	swait.ge [sflag:s4], $0x1F00  }
0x117: {  	[sflag:s4] =	ssyncset.done $0x0  }
0x118: {  	s23 =	rddreg [dreg:$0x12];
	[sflag:s4] =	ssyncadd.s32 $0xFFFFE100  }
0x119: {  	[spmem:s18], [sflag:s8] =	dma.local [hbm:s23], $0x1F00  }
0x11a: {  	_ =	swait.ge [sflag:s5], $0x1F00  }
0x11b: {  	[sflag:s5] =	ssyncset.done $0x0  }
0x11c: {  	s24 =	rddreg [dreg:$0x13];
	[sflag:s5] =	ssyncadd.s32 $0xFFFFE100  }
0x11d: {  	[hbm:s24], [sflag:s0] =	dma.local [spmem:s20], $0x1F00  }
0x11e: {  	_ =	swait.ge [sflag:s3], $0x1F00  }
0x11f: {  	[sflag:s3] =	ssyncset.done $0x0  }
0x120: {  	s25 =	rddreg [dreg:$0x14];
	[sflag:s3] =	ssyncadd.s32 $0xFFFFE100  }
0x121: {  	[spmem:s20], [sflag:s1] =	dma.local [hbm:s25], $0x1F00  }
0x122: {  	_ =	swait.ge [sflag:s6], $0x1F00  }
0x123: {  	[sflag:s6] =	ssyncset.done $0x0  }
0x124: {  	s26 =	rddreg [dreg:$0x15];
	[sflag:s6] =	ssyncadd.s32 $0xFFFFE100  }
0x125: {  	[hbm:s26], [sflag:s7] =	dma.local [spmem:s18], $0x1F00  }
0x126: {  	_ =	swait.ge [sflag:s4], $0x1F00  }
0x127: {  	[sflag:s4] =	ssyncset.done $0x0  }
0x128: {  	s28 =	rddreg [dreg:$0x16];
	[sflag:s4] =	ssyncadd.s32 $0xFFFFE100  }
0x129: {  	[spmem:s18], [sflag:s8] =	dma.local [hbm:s28], $0x1F00  }
0x12a: {  	_ =	swait.ge [sflag:s5], $0x1F00  }
0x12b: {  	[sflag:s5] =	ssyncset.done $0x0  }
0x12c: {  	s29 =	rddreg [dreg:$0x17];
	[sflag:s5] =	ssyncadd.s32 $0xFFFFE100  }
0x12d: {  	[hbm:s29], [sflag:s0] =	dma.local [spmem:s20], $0x1F00  }
0x12e: {  	_ =	swait.ge [sflag:s3], $0x1F00  }
0x12f: {  	[sflag:s3] =	ssyncset.done $0x0  }
0x130: {  	s30 =	rddreg [dreg:$0x18];
	[sflag:s3] =	ssyncadd.s32 $0xFFFFE100  }
0x131: {  	[spmem:s20], [sflag:s1] =	dma.local [hbm:s30], $0x800  }
0x132: {  	_ =	swait.ge [sflag:s6], $0x1F00  }
0x133: {  	[sflag:s6] =	ssyncset.done $0x0  }
0x134: {  	s31 =	rddreg [dreg:$0x19];
	[sflag:s6] =	ssyncadd.s32 $0xFFFFE100  }
0x135: {  	[hbm:s31], [sflag:s7] =	dma.local [spmem:s18], $0x1F00  }
0x136: {  	_ =	swait.ge [sflag:s5], $0x800  }
0x137: {  	[sflag:s5] =	ssyncset.done $0x0  }
0x138: {  	[sflag:s5] =	ssyncadd.s32 $0xFFFFF800  }
0x139: {  	[hbm:s2], [sflag:s0] =	dma.local [spmem:s20], $0x800  }
0x13a: {  	_ =	swait.ge [sflag:s4], $0x1F00  }
0x13b: {  	[sflag:s4] =	ssyncset.done $0x0  }
0x13c: {  	[sflag:s4] =	ssyncadd.s32 $0xFFFFE100  }
0x13d: {  	_ =	swait.ge [sflag:s3], $0x800  }
0x13e: {  	[sflag:s3] =	ssyncset.done $0x0  }
0x13f: {  	[sflag:s3] =	ssyncadd.s32 $0xFFFFF800  }
0x140: {  	_ =	sfence.sel $0x180000  }
0x141: {  	[bflag:$0x0] =	sbarrier.arrive $0xFFFF  }
0x142: {  	_ =	strace $0x90000047  }
0x143: {  	s0 =	sadd.s32 @!p0 $0x100000, s15;
	[bflag:$0x2] =	sbarrier.arrive $0xFFFF  }
0x144: {  	[sflag:s0] =	ssyncadd.tile.s32 @!p0 $0x1;
	_ =	shalt  }
.LBB2_2:
.Ltmp3:
0x145: {  	(pc) =	sbr.rel .LBB2_5-.Ltmp3, $4  }
0x146: {  	s15 =	rddreg [dreg:$0x4]  }
0x147: {  	s20 =	rddreg [dreg:$0x1a]  }
0x148: {  	s30 =	rddreg [dreg:$0x1b]  }
0x149: {  	s14 =	rddreg [dreg:$0x1c]  }
.Lfunc_end2:
_tile_overlayer_lowered:
.L_overlay_start_2:
0x14a: {  	(tag) =	ssettag $0x2  }
0x14b: {  	s0 =	rddreg [dreg:$0x0];
	s2 =	stileid.u32  }
0x14c: {  	s1 =	rddreg [dreg:$0x1];
	p0 =	sne.s32 s2, $0x0  }
0x14d: {  	s3 =	rddreg [dreg:$0x2];
	[bflag:$0x3] =	sbarrier.arrive $0xFFFF;
	s2 =	simm.s32 @!p0 $0x1C05  }
0x14e: {  	[timem:s3], [sflag:s2] =	dma.local @!p0 [hbm:s0], s1  }
0x14f: {  	s0 =	simm.s32 @!p0 $0x5  }
0x150: {  	_ =	swait.ge @!p0 [sflag:s0], s1  }
0x151: {  	s1 =	ssub.s32 @!p0 $0x0, s1;
	[sflag:s0] =	ssyncset.done @!p0 $0x0  }
0x152: {  	[sflag:s0] =	ssyncadd.s32 @!p0 s1  }
0x153: {  	[bflag:$0x3] =	sbarrier.arrive $0xFFFF  }
0x154: {  	_ =	shalt  }

</sc_bundles>
